<compile_context>
chip_gen: v7x
topology: tpu7x:2x2x1
jax: 0.10.2.dev20260603
libtpu: 0.0.44.dev20260713+nightly
codegen_flags: <defaults>
</compile_context>

<pallas_src>
import functools

import jax
import jax.numpy as jnp
from jax import lax
from jax.experimental import pallas as pl
from jax.experimental.pallas import tpu as pltpu
from jax.experimental.pallas import tpu_sc as plsc

N_NODES = 10000
N_EDGES = 160000
D_IN = 256
D_OUT = 256
H = 128
NC = 2
NS = 16
EC = 128
CHUNKS_PER_SUB = 80
E_PAD = CHUNKS_PER_SUB * NS * EC
N_PAD = 10112
ROWS_PER_SUB = N_PAD // NS
ZROWS = 8
CROWS = 80


def _sc_segment_sum(x2, srcs4, dst3, oh, zrs):
    mesh = plsc.VectorSubcoreMesh(
        core_axis_name="c", subcore_axis_name="s",
        num_cores=NC, num_subcores=NS)

    @functools.partial(
        pl.kernel,
        mesh=mesh,
        out_type=(
            jax.ShapeDtypeStruct((NC, N_PAD, H), jnp.float32),
            jax.ShapeDtypeStruct((NC, CROWS, 128), jnp.float32),
        ),
        scratch_types=[
            pltpu.VMEM((CHUNKS_PER_SUB, EC), jnp.int32),
            pltpu.VMEM((2, 8, EC), jnp.int32),
            pltpu.VMEM((EC,), jnp.int32),
            pltpu.VMEM((EC,), jnp.int32),
            pltpu.VMEM((EC, H), jnp.float32),
            pltpu.VMEM((EC, H), jnp.float32),
            pltpu.VMEM_SHARED((N_PAD, H), jnp.float32),
            pltpu.VMEM_SHARED((CROWS, 128), jnp.float32),
            pltpu.VMEM_SHARED((128, 128), jnp.float32),
            pltpu.SemaphoreType.DMA,
            pltpu.SemaphoreType.DMA,
            pltpu.SemaphoreType.DMA,
        ],
    )
    def sc_kernel(x2_hbm, srcs_hbm, dst_hbm, oh_hbm, zrs_hbm, s_hbm,
                  cnt_hbm, sidx, didx, cl, ch, rows_a, rows_b, acc, cnt,
                  oh_sh, sem_a, sem_b, sem_i):
        cid = lax.axis_index("c")
        sid = lax.axis_index("s")
        base = sid * ROWS_PER_SUB
        pltpu.sync_copy(zrs_hbm.at[pl.ds(base, ROWS_PER_SUB)],
                        acc.at[pl.ds(base, ROWS_PER_SUB)])

        @pl.when(sid < CROWS // ZROWS)
        def _():
            pltpu.sync_copy(zrs_hbm.at[pl.ds(sid * ZROWS, ZROWS)],
                            cnt.at[pl.ds(sid * ZROWS, ZROWS)])

        pltpu.sync_copy(oh_hbm.at[pl.ds(sid * 8, 8)],
                        oh_sh.at[pl.ds(sid * 8, 8)])

        pltpu.sync_copy(srcs_hbm.at[cid, sid], sidx)
        pltpu.async_copy(dst_hbm.at[sid, pl.ds(0, 8)], didx.at[0], sem_i)

        plsc.subcore_barrier()

        def count_phase(kb, r, buf, sem):
            for j in range(EC // 16):
                d16 = didx[kb, r, pl.ds(j * 16, 16)]
                cl[pl.ds(j * 16, 16)] = lax.bitwise_and(d16, 127)
                ch[pl.ds(j * 16, 16)] = lax.shift_right_logical(d16, 7)
            pltpu.async_copy(oh_sh.at[cl], buf, sem).wait()
            pltpu.sync_copy(buf, cnt.at[ch], add=True)

        pltpu.async_copy(x2_hbm.at[sidx.at[0]], rows_a, sem_a)

        def step(k, _):
            c0 = 2 * k
            kb = lax.rem(lax.div(k, 4), 2)
            r0 = lax.rem(k, 4) * 2

            @pl.when(lax.rem(k, 4) == 0)
            def _():
                pltpu.make_async_copy(
                    dst_hbm.at[sid, pl.ds(0, 8)], didx.at[kb], sem_i).wait()

                @pl.when(k < CHUNKS_PER_SUB // 2 - 4)
                def _():
                    pltpu.async_copy(
                        dst_hbm.at[sid,
                                   pl.ds(pl.multiple_of(c0 + 8, 8), 8)],
                        didx.at[1 - kb], sem_i)

            pltpu.async_copy(x2_hbm.at[sidx.at[c0 + 1]], rows_b, sem_b)
            pltpu.make_async_copy(x2_hbm.at[sidx.at[c0]], rows_a, sem_a).wait()
            pltpu.sync_copy(rows_a, acc.at[didx.at[kb, r0]], add=True)

            @pl.when(k < CHUNKS_PER_SUB // 2 - 1)
            def _():
                pltpu.async_copy(x2_hbm.at[sidx.at[c0 + 2]], rows_a, sem_a)

            pltpu.make_async_copy(
                x2_hbm.at[sidx.at[c0 + 1]], rows_b, sem_b).wait()
            pltpu.sync_copy(rows_b, acc.at[didx.at[kb, r0 + 1]], add=True)

            @pl.when(cid == 0)
            def _():
                count_phase(kb, r0, rows_b, sem_b)

            @pl.when(cid == 1)
            def _():
                count_phase(kb, r0 + 1, rows_b, sem_b)

            return 0

        lax.fori_loop(0, CHUNKS_PER_SUB // 2, step, 0)

        plsc.subcore_barrier()

        pltpu.sync_copy(acc.at[pl.ds(base, ROWS_PER_SUB)],
                        s_hbm.at[cid, pl.ds(base, ROWS_PER_SUB)])

        @pl.when(sid < CROWS // ZROWS)
        def _():
            pltpu.sync_copy(cnt.at[pl.ds(sid * ZROWS, ZROWS)],
                            cnt_hbm.at[cid, pl.ds(sid * ZROWS, ZROWS)])

    return sc_kernel(x2, srcs4, dst3, oh, zrs)


BR = 1000


def _tc_finish_body(x_ref, s0_ref, s1_ref, c0_ref, c1_ref, w_ref, b_ref,
                    o_ref):
    s = jnp.concatenate([s0_ref[0], s1_ref[0]], axis=1)
    c = jnp.maximum(c0_ref[...] + c1_ref[...], 1.0)
    h = s / c + x_ref[...]
    o_ref[...] = (
        jnp.dot(h, w_ref[...], preferred_element_type=jnp.float32,
                precision=lax.Precision.HIGHEST) + b_ref[...]
    )


def _tc_finish(x, s, c0, c1, W, b2):
    grid = (N_NODES // BR,)
    return pl.pallas_call(
        _tc_finish_body,
        grid=grid,
        in_specs=[
            pl.BlockSpec((BR, D_IN), lambda i: (i, 0)),
            pl.BlockSpec((1, BR, H), lambda i: (0, i, 0)),
            pl.BlockSpec((1, BR, H), lambda i: (1, i, 0)),
            pl.BlockSpec((BR, 1), lambda i: (i, 0)),
            pl.BlockSpec((BR, 1), lambda i: (i, 0)),
            pl.BlockSpec((D_IN, D_OUT), lambda i: (0, 0)),
            pl.BlockSpec((1, D_OUT), lambda i: (0, 0)),
        ],
        out_specs=pl.BlockSpec((BR, D_OUT), lambda i: (i, 0)),
        out_shape=jax.ShapeDtypeStruct((N_NODES, D_OUT), jnp.float32),
    )(x, s, s, c0, c1, W, b2)


def kernel(x, edge_index, W, b):
    src = edge_index[0].astype(jnp.int32)
    dst = edge_index[1].astype(jnp.int32)
    pad = E_PAD - N_EDGES
    srcs = jnp.concatenate([
        src, jnp.zeros((pad,), jnp.int32),
        src + N_NODES, jnp.full((pad,), N_NODES, jnp.int32),
    ]).reshape(NC, NS, CHUNKS_PER_SUB, EC)
    dst_p = jnp.concatenate(
        [dst, jnp.full((pad,), N_NODES, jnp.int32)]
    ).reshape(NS, CHUNKS_PER_SUB, EC)
    x2 = jnp.concatenate([x[:, :H], x[:, H:]], axis=0)
    oh = jnp.eye(128, dtype=jnp.float32)
    zrs = jnp.zeros((N_PAD, H), jnp.float32)

    s, cnt = _sc_segment_sum(x2, srcs, dst_p, oh, zrs)
    c0 = cnt[0].reshape(CROWS * 128, 1)[:N_NODES]
    c1 = cnt[1].reshape(CROWS * 128, 1)[:N_NODES]
    return _tc_finish(x, s, c0, c1, W, b.reshape(1, D_OUT))

# --- scband reference (transcript-rebuilt; emitter-appended) ---
"""Pipeline reference for scband-graph-sageconv-15006615733820 (READ-ONLY COPY).

The authoritative reference and input builder live on the scoring server;
editing this copy changes nothing except your own understanding.
"""

import jax, jax.numpy as jnp
import numpy as np

N_NODES = 10000
N_EDGES = 160000
D_IN = 256
D_OUT = 256

def setup_inputs(seed: int = 0) -> dict:
    key = jax.random.key(seed)
    k1, k2, k3, k4 = jax.random.split(key, 4)
    x = jax.random.normal(k1, (N_NODES, D_IN), dtype=jnp.float32)
    edge_index = jax.random.randint(k2, (2, N_EDGES), 0, N_NODES, dtype=jnp.int64)
    # Xavier uniform init for weight
    limit = np.sqrt(6.0 / (D_IN + D_OUT))
    W = jax.random.uniform(k3, (D_IN, D_OUT), dtype=jnp.float32, minval=-limit, maxval=limit)
    b = jnp.zeros((D_OUT,), dtype=jnp.float32)
    return {"x": x, "edge_index": edge_index, "W": W, "b": b}

def reference(x, edge_index, W, b):
    # Linear transform first (as in the torch module)
    xw = jnp.matmul(x, W)
    src = edge_index[0]
    dst = edge_index[1]
    num_nodes = xw.shape[0]
    # mean aggregation: scatter-add messages gathered from src into dst rows
    agg = jnp.zeros((num_nodes, xw.shape[1]), dtype=xw.dtype).at[dst].add(xw[src])
    count = jnp.zeros((num_nodes,), dtype=jnp.int32).at[dst].add(1)
    count = jnp.where(count == 0, 1, count)
    agg = agg / count[:, None].astype(xw.dtype)
    out = agg + xw
    out = out + b
    return out

if __name__ == "__main__":
    import jax
    _d = setup_inputs()
    print(jax.jit(kernel)(*tuple(_d.values())))

</pallas_src>

<mosaic_0001>
#map = affine_map<(d0, d1) -> (0, 0)>
#map1 = affine_map<(d0, d1) -> (0, 0, 0, 0)>
#map2 = affine_map<(d0, d1) -> (0, 0, 0)>
module attributes {stable_mosaic.version = 14 : i64} {
  func.func @sc_kernel(%arg0: i32, %arg1: i32, %arg2: memref<20000x128xf32, #tpu.memory_space<hbm>>, %arg3: memref<2x16x80x128xi32, #tpu.memory_space<hbm>>, %arg4: memref<16x80x128xi32, #tpu.memory_space<hbm>>, %arg5: memref<128x128xf32, #tpu.memory_space<hbm>>, %arg6: memref<10112x128xf32, #tpu.memory_space<hbm>>, %arg7: memref<2x10112x128xf32, #tpu.memory_space<hbm>>, %arg8: memref<2x80x128xf32, #tpu.memory_space<hbm>>, %arg9: memref<80x128xi32, #tpu.memory_space<vmem>>, %arg10: memref<2x8x128xi32, #tpu.memory_space<vmem>>, %arg11: memref<128xi32, #tpu.memory_space<vmem>>, %arg12: memref<128xi32, #tpu.memory_space<vmem>>, %arg13: memref<128x128xf32, #tpu.memory_space<vmem>>, %arg14: memref<128x128xf32, #tpu.memory_space<vmem>>, %arg15: memref<10112x128xf32, #tpu.memory_space<vmem_shared>>, %arg16: memref<80x128xf32, #tpu.memory_space<vmem_shared>>, %arg17: memref<128x128xf32, #tpu.memory_space<vmem_shared>>, %arg18: memref<!tpu.dma_semaphore, #tpu.memory_space<semaphore_mem>>, %arg19: memref<!tpu.dma_semaphore, #tpu.memory_space<semaphore_mem>>, %arg20: memref<!tpu.dma_semaphore, #tpu.memory_space<semaphore_mem>>) attributes {dimension_semantics = [#tpu.dimension_semantics<core_parallel>, #tpu.dimension_semantics<subcore_parallel>], iteration_bounds = array<i64: 2, 16>, scalar_prefetch = 0 : i64, scratch_operands = 12 : i64, tpu.core_type = #tpu.core_type<sc_vector_subcore>, window_params = [{transform_indices = #map}, {transform_indices = #map1}, {transform_indices = #map2}, {transform_indices = #map}, {transform_indices = #map}, {transform_indices = #map2}, {transform_indices = #map2}]} {
    %mul3A = arith.constant 632 : i32
    %mul3A_0 = arith.muli %arg1, %mul3A : i32
    "tpu.region"() ({
      %run_scoped3A = tpu.sem_alloc : memref<!tpu.dma_semaphore, #tpu.memory_space<semaphore_mem>>
      %dma_start3A_42 = arith.constant 0 : i32
      %dma_start3A_43 = tpu.memref_slice %arg15[%mul3A_0, %dma_start3A_42] : memref<10112x128xf32, #tpu.memory_space<vmem_shared>> -> memref<632x128xf32, #tpu.memory_space<vmem_shared>>
      %dma_start3A_44 = arith.constant 0 : i32
      %dma_start3A_45 = tpu.memref_slice %arg6[%mul3A_0, %dma_start3A_44] : memref<10112x128xf32, #tpu.memory_space<hbm>> -> memref<632x128xf32, #tpu.memory_space<hbm>>
      tpu.enqueue_dma source(%dma_start3A_45 : memref<632x128xf32, #tpu.memory_space<hbm>>) target(%dma_start3A_43 : memref<632x128xf32, #tpu.memory_space<vmem_shared>>) target_semaphore(%run_scoped3A : memref<!tpu.dma_semaphore, #tpu.memory_space<semaphore_mem>>)
      %dma_wait3A = arith.constant 0 : i32
      %dma_wait3A_46 = tpu.memref_slice %arg15[%mul3A_0, %dma_wait3A] : memref<10112x128xf32, #tpu.memory_space<vmem_shared>> -> memref<632x128xf32, #tpu.memory_space<vmem_shared>>
      %dma_wait3A_47 = arith.constant 0 : i32
      %dma_wait3A_48 = tpu.memref_slice %arg6[%mul3A_0, %dma_wait3A_47] : memref<10112x128xf32, #tpu.memory_space<hbm>> -> memref<632x128xf32, #tpu.memory_space<hbm>>
      tpu.wait_dma2 semaphore(%run_scoped3A : memref<!tpu.dma_semaphore, #tpu.memory_space<semaphore_mem>>) src(%dma_wait3A_48 : memref<632x128xf32, #tpu.memory_space<hbm>>) dst(%dma_wait3A_46 : memref<632x128xf32, #tpu.memory_space<vmem_shared>>)
      tpu.yield
    }) : () -> ()
    %lt3A = arith.constant 10 : i32
    %lt3A_1 = arith.cmpi slt, %arg1, %lt3A : i32
    %convert_element_type3A = arith.extui %lt3A_1 : i1 to i32
    %cond3A = arith.constant 0 : i32
    %cond3A_2 = arith.cmpi ne, %convert_element_type3A, %cond3A : i32
    scf.if %cond3A_2 {
      %mul3A_42 = arith.constant 8 : i32
      %mul3A_43 = arith.muli %arg1, %mul3A_42 : i32
      %mul3A_44 = arith.constant 8 : i32
      %mul3A_45 = arith.muli %arg1, %mul3A_44 : i32
      "tpu.region"() ({
        %run_scoped3A = tpu.sem_alloc : memref<!tpu.dma_semaphore, #tpu.memory_space<semaphore_mem>>
        %dma_start3A_46 = arith.constant 0 : i32
        %dma_start3A_47 = tpu.memref_slice %arg16[%mul3A_45, %dma_start3A_46] : memref<80x128xf32, #tpu.memory_space<vmem_shared>> -> memref<8x128xf32, #tpu.memory_space<vmem_shared>>
        %dma_start3A_48 = arith.constant 0 : i32
        %dma_start3A_49 = tpu.memref_slice %arg6[%mul3A_43, %dma_start3A_48] : memref<10112x128xf32, #tpu.memory_space<hbm>> -> memref<8x128xf32, #tpu.memory_space<hbm>>
        tpu.enqueue_dma source(%dma_start3A_49 : memref<8x128xf32, #tpu.memory_space<hbm>>) target(%dma_start3A_47 : memref<8x128xf32, #tpu.memory_space<vmem_shared>>) target_semaphore(%run_scoped3A : memref<!tpu.dma_semaphore, #tpu.memory_space<semaphore_mem>>)
        %dma_wait3A = arith.constant 0 : i32
        %dma_wait3A_50 = tpu.memref_slice %arg16[%mul3A_45, %dma_wait3A] : memref<80x128xf32, #tpu.memory_space<vmem_shared>> -> memref<8x128xf32, #tpu.memory_space<vmem_shared>>
        %dma_wait3A_51 = arith.constant 0 : i32
        %dma_wait3A_52 = tpu.memref_slice %arg6[%mul3A_43, %dma_wait3A_51] : memref<10112x128xf32, #tpu.memory_space<hbm>> -> memref<8x128xf32, #tpu.memory_space<hbm>>
        tpu.wait_dma2 semaphore(%run_scoped3A : memref<!tpu.dma_semaphore, #tpu.memory_space<semaphore_mem>>) src(%dma_wait3A_52 : memref<8x128xf32, #tpu.memory_space<hbm>>) dst(%dma_wait3A_50 : memref<8x128xf32, #tpu.memory_space<vmem_shared>>)
        tpu.yield
      }) : () -> ()
    } else {
    }
    %mul3A_3 = arith.constant 8 : i32
    %mul3A_4 = arith.muli %arg1, %mul3A_3 : i32
    %mul3A_5 = arith.constant 8 : i32
    %mul3A_6 = arith.muli %arg1, %mul3A_5 : i32
    "tpu.region"() ({
      %run_scoped3A = tpu.sem_alloc : memref<!tpu.dma_semaphore, #tpu.memory_space<semaphore_mem>>
      %dma_start3A_42 = arith.constant 0 : i32
      %dma_start3A_43 = tpu.memref_slice %arg17[%mul3A_6, %dma_start3A_42] : memref<128x128xf32, #tpu.memory_space<vmem_shared>> -> memref<8x128xf32, #tpu.memory_space<vmem_shared>>
      %dma_start3A_44 = arith.constant 0 : i32
      %dma_start3A_45 = tpu.memref_slice %arg5[%mul3A_4, %dma_start3A_44] : memref<128x128xf32, #tpu.memory_space<hbm>> -> memref<8x128xf32, #tpu.memory_space<hbm>>
      tpu.enqueue_dma source(%dma_start3A_45 : memref<8x128xf32, #tpu.memory_space<hbm>>) target(%dma_start3A_43 : memref<8x128xf32, #tpu.memory_space<vmem_shared>>) target_semaphore(%run_scoped3A : memref<!tpu.dma_semaphore, #tpu.memory_space<semaphore_mem>>)
      %dma_wait3A = arith.constant 0 : i32
      %dma_wait3A_46 = tpu.memref_slice %arg17[%mul3A_6, %dma_wait3A] : memref<128x128xf32, #tpu.memory_space<vmem_shared>> -> memref<8x128xf32, #tpu.memory_space<vmem_shared>>
      %dma_wait3A_47 = arith.constant 0 : i32
      %dma_wait3A_48 = tpu.memref_slice %arg5[%mul3A_4, %dma_wait3A_47] : memref<128x128xf32, #tpu.memory_space<hbm>> -> memref<8x128xf32, #tpu.memory_space<hbm>>
      tpu.wait_dma2 semaphore(%run_scoped3A : memref<!tpu.dma_semaphore, #tpu.memory_space<semaphore_mem>>) src(%dma_wait3A_48 : memref<8x128xf32, #tpu.memory_space<hbm>>) dst(%dma_wait3A_46 : memref<8x128xf32, #tpu.memory_space<vmem_shared>>)
      tpu.yield
    }) : () -> ()
    "tpu.region"() ({
      %run_scoped3A = tpu.sem_alloc : memref<!tpu.dma_semaphore, #tpu.memory_space<semaphore_mem>>
      %dma_start3A_42 = arith.constant 0 : i32
      %dma_start3A_43 = arith.constant 0 : i32
      %dma_start3A_44 = tpu.memref_slice %arg3[%arg0, %arg1, %dma_start3A_42, %dma_start3A_43] : memref<2x16x80x128xi32, #tpu.memory_space<hbm>> -> memref<1x1x80x128xi32, #tpu.memory_space<hbm>>
      %dma_start3A_45 = tpu.memref_squeeze %dma_start3A_44 : memref<1x1x80x128xi32, #tpu.memory_space<hbm>> -> memref<80x128xi32, #tpu.memory_space<hbm>>
      %dma_start3A_46 = arith.constant 0 : i32
      %dma_start3A_47 = arith.constant 0 : i32
      %dma_start3A_48 = tpu.memref_slice %arg3[%arg0, %arg1, %dma_start3A_46, %dma_start3A_47] : memref<2x16x80x128xi32, #tpu.memory_space<hbm>> -> memref<1x1x80x128xi32, #tpu.memory_space<hbm>>
      %dma_start3A_49 = tpu.memref_squeeze %dma_start3A_48 : memref<1x1x80x128xi32, #tpu.memory_space<hbm>> -> memref<80x128xi32, #tpu.memory_space<hbm>>
      tpu.enqueue_dma source(%dma_start3A_49 : memref<80x128xi32, #tpu.memory_space<hbm>>) target(%arg9 : memref<80x128xi32, #tpu.memory_space<vmem>>) target_semaphore(%run_scoped3A : memref<!tpu.dma_semaphore, #tpu.memory_space<semaphore_mem>>)
      %dma_wait3A = arith.constant 0 : i32
      %dma_wait3A_50 = arith.constant 0 : i32
      %dma_wait3A_51 = tpu.memref_slice %arg3[%arg0, %arg1, %dma_wait3A, %dma_wait3A_50] : memref<2x16x80x128xi32, #tpu.memory_space<hbm>> -> memref<1x1x80x128xi32, #tpu.memory_space<hbm>>
      %dma_wait3A_52 = tpu.memref_squeeze %dma_wait3A_51 : memref<1x1x80x128xi32, #tpu.memory_space<hbm>> -> memref<80x128xi32, #tpu.memory_space<hbm>>
      %dma_wait3A_53 = arith.constant 0 : i32
      %dma_wait3A_54 = arith.constant 0 : i32
      %dma_wait3A_55 = tpu.memref_slice %arg3[%arg0, %arg1, %dma_wait3A_53, %dma_wait3A_54] : memref<2x16x80x128xi32, #tpu.memory_space<hbm>> -> memref<1x1x80x128xi32, #tpu.memory_space<hbm>>
      %dma_wait3A_56 = tpu.memref_squeeze %dma_wait3A_55 : memref<1x1x80x128xi32, #tpu.memory_space<hbm>> -> memref<80x128xi32, #tpu.memory_space<hbm>>
      tpu.wait_dma2 semaphore(%run_scoped3A : memref<!tpu.dma_semaphore, #tpu.memory_space<semaphore_mem>>) src(%dma_wait3A_56 : memref<80x128xi32, #tpu.memory_space<hbm>>) dst(%arg9 : memref<80x128xi32, #tpu.memory_space<vmem>>)
      tpu.yield
    }) : () -> ()
    %dma_start3A = arith.constant 0 : i32
    %dma_start3A_7 = arith.constant 0 : i32
    %dma_start3A_8 = arith.constant 0 : i32
    %dma_start3A_9 = tpu.memref_slice %arg10[%dma_start3A, %dma_start3A_7, %dma_start3A_8] : memref<2x8x128xi32, #tpu.memory_space<vmem>> -> memref<1x8x128xi32, #tpu.memory_space<vmem>>
    %dma_start3A_10 = tpu.memref_squeeze %dma_start3A_9 : memref<1x8x128xi32, #tpu.memory_space<vmem>> -> memref<8x128xi32, #tpu.memory_space<vmem>>
    %dma_start3A_11 = arith.constant 0 : i32
    %dma_start3A_12 = arith.constant 0 : i32
    %dma_start3A_13 = tpu.memref_slice %arg4[%arg1, %dma_start3A_11, %dma_start3A_12] : memref<16x80x128xi32, #tpu.memory_space<hbm>> -> memref<1x8x128xi32, #tpu.memory_space<hbm>>
    %dma_start3A_14 = tpu.memref_squeeze %dma_start3A_13 : memref<1x8x128xi32, #tpu.memory_space<hbm>> -> memref<8x128xi32, #tpu.memory_space<hbm>>
    %dma_start3A_15 = arith.constant 0 : i32
    %dma_start3A_16 = arith.constant 0 : i32
    %dma_start3A_17 = tpu.memref_slice %arg10[%dma_start3A, %dma_start3A_15, %dma_start3A_16] : memref<2x8x128xi32, #tpu.memory_space<vmem>> -> memref<1x8x128xi32, #tpu.memory_space<vmem>>
    %dma_start3A_18 = tpu.memref_squeeze %dma_start3A_17 : memref<1x8x128xi32, #tpu.memory_space<vmem>> -> memref<8x128xi32, #tpu.memory_space<vmem>>
    %dma_start3A_19 = arith.constant 0 : i32
    %dma_start3A_20 = arith.constant 0 : i32
    %dma_start3A_21 = tpu.memref_slice %arg4[%arg1, %dma_start3A_19, %dma_start3A_20] : memref<16x80x128xi32, #tpu.memory_space<hbm>> -> memref<1x8x128xi32, #tpu.memory_space<hbm>>
    %dma_start3A_22 = tpu.memref_squeeze %dma_start3A_21 : memref<1x8x128xi32, #tpu.memory_space<hbm>> -> memref<8x128xi32, #tpu.memory_space<hbm>>
    tpu.enqueue_dma source(%dma_start3A_22 : memref<8x128xi32, #tpu.memory_space<hbm>>) target(%dma_start3A_18 : memref<8x128xi32, #tpu.memory_space<vmem>>) target_semaphore(%arg20 : memref<!tpu.dma_semaphore, #tpu.memory_space<semaphore_mem>>)
    %barrier3A = arith.constant 0 : index
    tpu.barrier barrier_id(%barrier3A)
    %dma_start3A_23 = arith.constant 0 : i32
    %dma_start3A_24 = arith.constant 0 : i32
    %dma_start3A_25 = tpu.memref_slice %arg9[%dma_start3A_23, %dma_start3A_24] : memref<80x128xi32, #tpu.memory_space<vmem>> -> memref<1x128xi32, #tpu.memory_space<vmem>>
    %dma_start3A_26 = tpu.memref_squeeze %dma_start3A_25 : memref<1x128xi32, #tpu.memory_space<vmem>> -> memref<128xi32, #tpu.memory_space<vmem>>
    %dma_start3A_27 = arith.constant 0 : i32
    %dma_start3A_28 = arith.constant 0 : i32
    %dma_start3A_29 = tpu.memref_slice %arg2[%dma_start3A_27, %dma_start3A_28] : memref<20000x128xf32, #tpu.memory_space<hbm>> -> memref<20000x128xf32, #tpu.memory_space<hbm>>
    tpu.enqueue_indirect_dma source(%dma_start3A_29 : memref<20000x128xf32, #tpu.memory_space<hbm>>) target(%arg13 : memref<128x128xf32, #tpu.memory_space<vmem>>) offsets(%dma_start3A_26 : memref<128xi32, #tpu.memory_space<vmem>>) semaphore(%arg18 : memref<!tpu.dma_semaphore, #tpu.memory_space<semaphore_mem>>)
    %scan3A = arith.constant 0 : i32
    %scan3A_30 = arith.constant 0 : i32
    %scan3A_31 = arith.constant 40 : i32
    %scan3A_32 = arith.addi %scan3A_30, %scan3A_31 : i32
    %scan3A_33 = arith.constant 1 : i32
    %scan3A_34 = scf.for %scan3A_42 = %scan3A_30 to %scan3A_32 step %scan3A_33 iter_args(%scan3A_43 = %scan3A) -> (i32)  : i32 {
      %mul3A_44 = arith.constant 2 : i32
      %mul3A_45 = arith.muli %mul3A_44, %scan3A_42 : i32
      %div3A = arith.constant 4 : i32
      %div3A_46 = arith.divsi %scan3A_42, %div3A : i32
      %rem3A = arith.constant 2 : i32
      %rem3A_47 = arith.remsi %div3A_46, %rem3A : i32
      %rem3A_48 = arith.constant 4 : i32
      %rem3A_49 = arith.remsi %scan3A_42, %rem3A_48 : i32
      %mul3A_50 = arith.constant 2 : i32
      %mul3A_51 = arith.muli %rem3A_49, %mul3A_50 : i32
      %rem3A_52 = arith.constant 4 : i32
      %rem3A_53 = arith.remsi %scan3A_42, %rem3A_52 : i32
      %eq3A = arith.constant 0 : i32
      %eq3A_54 = arith.cmpi eq, %rem3A_53, %eq3A : i32
      %convert_element_type3A_55 = arith.extui %eq3A_54 : i1 to i32
      %cond3A_56 = arith.constant 0 : i32
      %cond3A_57 = arith.cmpi ne, %convert_element_type3A_55, %cond3A_56 : i32
      scf.if %cond3A_57 {
        %dma_wait3A_96 = arith.constant 0 : i32
        %dma_wait3A_97 = arith.constant 0 : i32
        %dma_wait3A_98 = tpu.memref_slice %arg10[%rem3A_47, %dma_wait3A_96, %dma_wait3A_97] : memref<2x8x128xi32, #tpu.memory_space<vmem>> -> memref<1x8x128xi32, #tpu.memory_space<vmem>>
        %dma_wait3A_99 = tpu.memref_squeeze %dma_wait3A_98 : memref<1x8x128xi32, #tpu.memory_space<vmem>> -> memref<8x128xi32, #tpu.memory_space<vmem>>
        %dma_wait3A_100 = arith.constant 0 : i32
        %dma_wait3A_101 = arith.constant 0 : i32
        %dma_wait3A_102 = tpu.memref_slice %arg4[%arg1, %dma_wait3A_100, %dma_wait3A_101] : memref<16x80x128xi32, #tpu.memory_space<hbm>> -> memref<1x8x128xi32, #tpu.memory_space<hbm>>
        %dma_wait3A_103 = tpu.memref_squeeze %dma_wait3A_102 : memref<1x8x128xi32, #tpu.memory_space<hbm>> -> memref<8x128xi32, #tpu.memory_space<hbm>>
        %dma_wait3A_104 = arith.constant 0 : i32
        %dma_wait3A_105 = arith.constant 0 : i32
        %dma_wait3A_106 = tpu.memref_slice %arg10[%rem3A_47, %dma_wait3A_104, %dma_wait3A_105] : memref<2x8x128xi32, #tpu.memory_space<vmem>> -> memref<1x8x128xi32, #tpu.memory_space<vmem>>
        %dma_wait3A_107 = tpu.memref_squeeze %dma_wait3A_106 : memref<1x8x128xi32, #tpu.memory_space<vmem>> -> memref<8x128xi32, #tpu.memory_space<vmem>>
        %dma_wait3A_108 = arith.constant 0 : i32
        %dma_wait3A_109 = arith.constant 0 : i32
        %dma_wait3A_110 = tpu.memref_slice %arg4[%arg1, %dma_wait3A_108, %dma_wait3A_109] : memref<16x80x128xi32, #tpu.memory_space<hbm>> -> memref<1x8x128xi32, #tpu.memory_space<hbm>>
        %dma_wait3A_111 = tpu.memref_squeeze %dma_wait3A_110 : memref<1x8x128xi32, #tpu.memory_space<hbm>> -> memref<8x128xi32, #tpu.memory_space<hbm>>
        tpu.wait_dma2 semaphore(%arg20 : memref<!tpu.dma_semaphore, #tpu.memory_space<semaphore_mem>>) src(%dma_wait3A_111 : memref<8x128xi32, #tpu.memory_space<hbm>>) dst(%dma_wait3A_107 : memref<8x128xi32, #tpu.memory_space<vmem>>)
        %lt3A_112 = arith.constant 36 : i32
        %lt3A_113 = arith.cmpi slt, %scan3A_42, %lt3A_112 : i32
        %convert_element_type3A_114 = arith.extui %lt3A_113 : i1 to i32
        %cond3A_115 = arith.constant 0 : i32
        %cond3A_116 = arith.cmpi ne, %convert_element_type3A_114, %cond3A_115 : i32
        scf.if %cond3A_116 {
          %add3A_117 = arith.constant 8 : i32
          %add3A_118 = arith.addi %mul3A_45, %add3A_117 : i32
          %multiple_of3A = tpu.assume_multiple %add3A_118, 8 : i32
          %sub3A = arith.constant 1 : i32
          %sub3A_119 = arith.subi %sub3A, %rem3A_47 : i32
          %dma_start3A_120 = arith.constant 0 : i32
          %dma_start3A_121 = arith.constant 0 : i32
          %dma_start3A_122 = tpu.memref_slice %arg10[%sub3A_119, %dma_start3A_120, %dma_start3A_121] : memref<2x8x128xi32, #tpu.memory_space<vmem>> -> memref<1x8x128xi32, #tpu.memory_space<vmem>>
          %dma_start3A_123 = tpu.memref_squeeze %dma_start3A_122 : memref<1x8x128xi32, #tpu.memory_space<vmem>> -> memref<8x128xi32, #tpu.memory_space<vmem>>
          %dma_start3A_124 = arith.constant 0 : i32
          %dma_start3A_125 = tpu.memref_slice %arg4[%arg1, %multiple_of3A, %dma_start3A_124] : memref<16x80x128xi32, #tpu.memory_space<hbm>> -> memref<1x8x128xi32, #tpu.memory_space<hbm>>
          %dma_start3A_126 = tpu.memref_squeeze %dma_start3A_125 : memref<1x8x128xi32, #tpu.memory_space<hbm>> -> memref<8x128xi32, #tpu.memory_space<hbm>>
          %dma_start3A_127 = arith.constant 0 : i32
          %dma_start3A_128 = arith.constant 0 : i32
          %dma_start3A_129 = tpu.memref_slice %arg10[%sub3A_119, %dma_start3A_127, %dma_start3A_128] : memref<2x8x128xi32, #tpu.memory_space<vmem>> -> memref<1x8x128xi32, #tpu.memory_space<vmem>>
          %dma_start3A_130 = tpu.memref_squeeze %dma_start3A_129 : memref<1x8x128xi32, #tpu.memory_space<vmem>> -> memref<8x128xi32, #tpu.memory_space<vmem>>
          %dma_start3A_131 = arith.constant 0 : i32
          %dma_start3A_132 = tpu.memref_slice %arg4[%arg1, %multiple_of3A, %dma_start3A_131] : memref<16x80x128xi32, #tpu.memory_space<hbm>> -> memref<1x8x128xi32, #tpu.memory_space<hbm>>
          %dma_start3A_133 = tpu.memref_squeeze %dma_start3A_132 : memref<1x8x128xi32, #tpu.memory_space<hbm>> -> memref<8x128xi32, #tpu.memory_space<hbm>>
          tpu.enqueue_dma source(%dma_start3A_133 : memref<8x128xi32, #tpu.memory_space<hbm>>) target(%dma_start3A_130 : memref<8x128xi32, #tpu.memory_space<vmem>>) target_semaphore(%arg20 : memref<!tpu.dma_semaphore, #tpu.memory_space<semaphore_mem>>)
        } else {
        }
      } else {
      }
      %add3A = arith.constant 1 : i32
      %add3A_58 = arith.addi %mul3A_45, %add3A : i32
      %dma_start3A_59 = arith.constant 0 : i32
      %dma_start3A_60 = tpu.memref_slice %arg9[%add3A_58, %dma_start3A_59] : memref<80x128xi32, #tpu.memory_space<vmem>> -> memref<1x128xi32, #tpu.memory_space<vmem>>
      %dma_start3A_61 = tpu.memref_squeeze %dma_start3A_60 : memref<1x128xi32, #tpu.memory_space<vmem>> -> memref<128xi32, #tpu.memory_space<vmem>>
      %dma_start3A_62 = arith.constant 0 : i32
      %dma_start3A_63 = arith.constant 0 : i32
      %dma_start3A_64 = tpu.memref_slice %arg2[%dma_start3A_62, %dma_start3A_63] : memref<20000x128xf32, #tpu.memory_space<hbm>> -> memref<20000x128xf32, #tpu.memory_space<hbm>>
      tpu.enqueue_indirect_dma source(%dma_start3A_64 : memref<20000x128xf32, #tpu.memory_space<hbm>>) target(%arg14 : memref<128x128xf32, #tpu.memory_space<vmem>>) offsets(%dma_start3A_61 : memref<128xi32, #tpu.memory_space<vmem>>) semaphore(%arg19 : memref<!tpu.dma_semaphore, #tpu.memory_space<semaphore_mem>>)
      %dma_wait3A = arith.constant 0 : i32
      %dma_wait3A_65 = tpu.memref_slice %arg9[%mul3A_45, %dma_wait3A] : memref<80x128xi32, #tpu.memory_space<vmem>> -> memref<1x128xi32, #tpu.memory_space<vmem>>
      %dma_wait3A_66 = tpu.memref_squeeze %dma_wait3A_65 : memref<1x128xi32, #tpu.memory_space<vmem>> -> memref<128xi32, #tpu.memory_space<vmem>>
      %dma_wait3A_67 = arith.constant 0 : i32
      %dma_wait3A_68 = arith.constant 0 : i32
      %dma_wait3A_69 = tpu.memref_slice %arg2[%dma_wait3A_67, %dma_wait3A_68] : memref<20000x128xf32, #tpu.memory_space<hbm>> -> memref<20000x128xf32, #tpu.memory_space<hbm>>
      tpu.wait_indirect_dma semaphore(%arg18 : memref<!tpu.dma_semaphore, #tpu.memory_space<semaphore_mem>>) src(%dma_wait3A_69 : memref<20000x128xf32, #tpu.memory_space<hbm>>) dst(%arg13 : memref<128x128xf32, #tpu.memory_space<vmem>>)
      "tpu.region"() ({
        %run_scoped3A = tpu.sem_alloc : memref<!tpu.dma_semaphore, #tpu.memory_space<semaphore_mem>>
        %dma_start3A_96 = arith.constant 0 : i32
        %dma_start3A_97 = tpu.memref_slice %arg10[%rem3A_47, %mul3A_51, %dma_start3A_96] : memref<2x8x128xi32, #tpu.memory_space<vmem>> -> memref<1x1x128xi32, #tpu.memory_space<vmem>>
        %dma_start3A_98 = tpu.memref_squeeze %dma_start3A_97 : memref<1x1x128xi32, #tpu.memory_space<vmem>> -> memref<128xi32, #tpu.memory_space<vmem>>
        %dma_start3A_99 = arith.constant 0 : i32
        %dma_start3A_100 = arith.constant 0 : i32
        %dma_start3A_101 = tpu.memref_slice %arg15[%dma_start3A_99, %dma_start3A_100] : memref<10112x128xf32, #tpu.memory_space<vmem_shared>> -> memref<10112x128xf32, #tpu.memory_space<vmem_shared>>
        tpu.enqueue_indirect_dma source(%arg13 : memref<128x128xf32, #tpu.memory_space<vmem>>) target(%dma_start3A_101 : memref<10112x128xf32, #tpu.memory_space<vmem_shared>>) offsets(%dma_start3A_98 : memref<128xi32, #tpu.memory_space<vmem>>) semaphore(%run_scoped3A : memref<!tpu.dma_semaphore, #tpu.memory_space<semaphore_mem>>) {add = true}
        %dma_wait3A_102 = arith.constant 0 : i32
        %dma_wait3A_103 = tpu.memref_slice %arg10[%rem3A_47, %mul3A_51, %dma_wait3A_102] : memref<2x8x128xi32, #tpu.memory_space<vmem>> -> memref<1x1x128xi32, #tpu.memory_space<vmem>>
        %dma_wait3A_104 = tpu.memref_squeeze %dma_wait3A_103 : memref<1x1x128xi32, #tpu.memory_space<vmem>> -> memref<128xi32, #tpu.memory_space<vmem>>
        %dma_wait3A_105 = arith.constant 0 : i32
        %dma_wait3A_106 = arith.constant 0 : i32
        %dma_wait3A_107 = tpu.memref_slice %arg15[%dma_wait3A_105, %dma_wait3A_106] : memref<10112x128xf32, #tpu.memory_space<vmem_shared>> -> memref<10112x128xf32, #tpu.memory_space<vmem_shared>>
        tpu.wait_indirect_dma semaphore(%run_scoped3A : memref<!tpu.dma_semaphore, #tpu.memory_space<semaphore_mem>>) src(%arg13 : memref<128x128xf32, #tpu.memory_space<vmem>>) dst(%dma_wait3A_107 : memref<10112x128xf32, #tpu.memory_space<vmem_shared>>)
        tpu.yield
      }) : () -> ()
      %lt3A_70 = arith.constant 39 : i32
      %lt3A_71 = arith.cmpi slt, %scan3A_42, %lt3A_70 : i32
      %convert_element_type3A_72 = arith.extui %lt3A_71 : i1 to i32
      %cond3A_73 = arith.constant 0 : i32
      %cond3A_74 = arith.cmpi ne, %convert_element_type3A_72, %cond3A_73 : i32
      scf.if %cond3A_74 {
        %add3A_96 = arith.constant 2 : i32
        %add3A_97 = arith.addi %mul3A_45, %add3A_96 : i32
        %dma_start3A_98 = arith.constant 0 : i32
        %dma_start3A_99 = tpu.memref_slice %arg9[%add3A_97, %dma_start3A_98] : memref<80x128xi32, #tpu.memory_space<vmem>> -> memref<1x128xi32, #tpu.memory_space<vmem>>
        %dma_start3A_100 = tpu.memref_squeeze %dma_start3A_99 : memref<1x128xi32, #tpu.memory_space<vmem>> -> memref<128xi32, #tpu.memory_space<vmem>>
        %dma_start3A_101 = arith.constant 0 : i32
        %dma_start3A_102 = arith.constant 0 : i32
        %dma_start3A_103 = tpu.memref_slice %arg2[%dma_start3A_101, %dma_start3A_102] : memref<20000x128xf32, #tpu.memory_space<hbm>> -> memref<20000x128xf32, #tpu.memory_space<hbm>>
        tpu.enqueue_indirect_dma source(%dma_start3A_103 : memref<20000x128xf32, #tpu.memory_space<hbm>>) target(%arg13 : memref<128x128xf32, #tpu.memory_space<vmem>>) offsets(%dma_start3A_100 : memref<128xi32, #tpu.memory_space<vmem>>) semaphore(%arg18 : memref<!tpu.dma_semaphore, #tpu.memory_space<semaphore_mem>>)
      } else {
      }
      %add3A_75 = arith.constant 1 : i32
      %add3A_76 = arith.addi %mul3A_45, %add3A_75 : i32
      %dma_wait3A_77 = arith.constant 0 : i32
      %dma_wait3A_78 = tpu.memref_slice %arg9[%add3A_76, %dma_wait3A_77] : memref<80x128xi32, #tpu.memory_space<vmem>> -> memref<1x128xi32, #tpu.memory_space<vmem>>
      %dma_wait3A_79 = tpu.memref_squeeze %dma_wait3A_78 : memref<1x128xi32, #tpu.memory_space<vmem>> -> memref<128xi32, #tpu.memory_space<vmem>>
      %dma_wait3A_80 = arith.constant 0 : i32
      %dma_wait3A_81 = arith.constant 0 : i32
      %dma_wait3A_82 = tpu.memref_slice %arg2[%dma_wait3A_80, %dma_wait3A_81] : memref<20000x128xf32, #tpu.memory_space<hbm>> -> memref<20000x128xf32, #tpu.memory_space<hbm>>
      tpu.wait_indirect_dma semaphore(%arg19 : memref<!tpu.dma_semaphore, #tpu.memory_space<semaphore_mem>>) src(%dma_wait3A_82 : memref<20000x128xf32, #tpu.memory_space<hbm>>) dst(%arg14 : memref<128x128xf32, #tpu.memory_space<vmem>>)
      %add3A_83 = arith.constant 1 : i32
      %add3A_84 = arith.addi %mul3A_51, %add3A_83 : i32
      "tpu.region"() ({
        %run_scoped3A = tpu.sem_alloc : memref<!tpu.dma_semaphore, #tpu.memory_space<semaphore_mem>>
        %dma_start3A_96 = arith.constant 0 : i32
        %dma_start3A_97 = tpu.memref_slice %arg10[%rem3A_47, %add3A_84, %dma_start3A_96] : memref<2x8x128xi32, #tpu.memory_space<vmem>> -> memref<1x1x128xi32, #tpu.memory_space<vmem>>
        %dma_start3A_98 = tpu.memref_squeeze %dma_start3A_97 : memref<1x1x128xi32, #tpu.memory_space<vmem>> -> memref<128xi32, #tpu.memory_space<vmem>>
        %dma_start3A_99 = arith.constant 0 : i32
        %dma_start3A_100 = arith.constant 0 : i32
        %dma_start3A_101 = tpu.memref_slice %arg15[%dma_start3A_99, %dma_start3A_100] : memref<10112x128xf32, #tpu.memory_space<vmem_shared>> -> memref<10112x128xf32, #tpu.memory_space<vmem_shared>>
        tpu.enqueue_indirect_dma source(%arg14 : memref<128x128xf32, #tpu.memory_space<vmem>>) target(%dma_start3A_101 : memref<10112x128xf32, #tpu.memory_space<vmem_shared>>) offsets(%dma_start3A_98 : memref<128xi32, #tpu.memory_space<vmem>>) semaphore(%run_scoped3A : memref<!tpu.dma_semaphore, #tpu.memory_space<semaphore_mem>>) {add = true}
        %dma_wait3A_102 = arith.constant 0 : i32
        %dma_wait3A_103 = tpu.memref_slice %arg10[%rem3A_47, %add3A_84, %dma_wait3A_102] : memref<2x8x128xi32, #tpu.memory_space<vmem>> -> memref<1x1x128xi32, #tpu.memory_space<vmem>>
        %dma_wait3A_104 = tpu.memref_squeeze %dma_wait3A_103 : memref<1x1x128xi32, #tpu.memory_space<vmem>> -> memref<128xi32, #tpu.memory_space<vmem>>
        %dma_wait3A_105 = arith.constant 0 : i32
        %dma_wait3A_106 = arith.constant 0 : i32
        %dma_wait3A_107 = tpu.memref_slice %arg15[%dma_wait3A_105, %dma_wait3A_106] : memref<10112x128xf32, #tpu.memory_space<vmem_shared>> -> memref<10112x128xf32, #tpu.memory_space<vmem_shared>>
        tpu.wait_indirect_dma semaphore(%run_scoped3A : memref<!tpu.dma_semaphore, #tpu.memory_space<semaphore_mem>>) src(%arg14 : memref<128x128xf32, #tpu.memory_space<vmem>>) dst(%dma_wait3A_107 : memref<10112x128xf32, #tpu.memory_space<vmem_shared>>)
        tpu.yield
      }) : () -> ()
      %eq3A_85 = arith.constant 0 : i32
      %eq3A_86 = arith.cmpi eq, %arg0, %eq3A_85 : i32
      %convert_element_type3A_87 = arith.extui %eq3A_86 : i1 to i32
      %cond3A_88 = arith.constant 0 : i32
      %cond3A_89 = arith.cmpi ne, %convert_element_type3A_87, %cond3A_88 : i32
      scf.if %cond3A_89 {
        %get3A = arith.index_cast %rem3A_47 : i32 to index
        %get3A_96 = arith.index_cast %mul3A_51 : i32 to index
        %get3A_97 = arith.constant 0 : index
        %get3A_98 = tpu.vector_load %arg10[%get3A, %get3A_96, %get3A_97] {strides = array<i32>} : memref<2x8x128xi32, #tpu.memory_space<vmem>>, vector<1x1x16xi32>,
        %get3A_99 = vector.shape_cast %get3A_98 : vector<1x1x16xi32> to vector<16xi32>
        %and3A = arith.constant 127 : i32
        %and3A_100 = vector.broadcast %and3A : i32 to vector<16xi32>
        %and3A_101 = arith.andi %get3A_99, %and3A_100 : vector<16xi32>
        %swap3A = arith.constant 0 : index
        %swap3A_102 = tpu.vector_load %arg11[%swap3A] {strides = array<i32>} : memref<128xi32, #tpu.memory_space<vmem>>, vector<16xi32>,
        %swap3A_103 = vector.shape_cast %swap3A_102 : vector<16xi32> to vector<16xi32>
        %swap3A_104 = vector.shape_cast %and3A_101 : vector<16xi32> to vector<16xi32>
        tpu.vector_store %arg11[%swap3A], %swap3A_104 {strides = array<i32>} : memref<128xi32, #tpu.memory_space<vmem>>, vector<16xi32>,
        %shift_right_logical3A = arith.constant 7 : i32
        %shift_right_logical3A_105 = vector.broadcast %shift_right_logical3A : i32 to vector<16xi32>
        %shift_right_logical3A_106 = arith.shrui %get3A_99, %shift_right_logical3A_105 : vector<16xi32>
        %swap3A_107 = arith.constant 0 : index
        %swap3A_108 = tpu.vector_load %arg12[%swap3A_107] {strides = array<i32>} : memref<128xi32, #tpu.memory_space<vmem>>, vector<16xi32>,
        %swap3A_109 = vector.shape_cast %swap3A_108 : vector<16xi32> to vector<16xi32>
        %swap3A_110 = vector.shape_cast %shift_right_logical3A_106 : vector<16xi32> to vector<16xi32>
        tpu.vector_store %arg12[%swap3A_107], %swap3A_110 {strides = array<i32>} : memref<128xi32, #tpu.memory_space<vmem>>, vector<16xi32>,
        %get3A_111 = arith.index_cast %rem3A_47 : i32 to index
        %get3A_112 = arith.index_cast %mul3A_51 : i32 to index
        %get3A_113 = arith.constant 16 : index
        %get3A_114 = tpu.vector_load %arg10[%get3A_111, %get3A_112, %get3A_113] {strides = array<i32>} : memref<2x8x128xi32, #tpu.memory_space<vmem>>, vector<1x1x16xi32>,
        %get3A_115 = vector.shape_cast %get3A_114 : vector<1x1x16xi32> to vector<16xi32>
        %and3A_116 = arith.constant 127 : i32
        %and3A_117 = vector.broadcast %and3A_116 : i32 to vector<16xi32>
        %and3A_118 = arith.andi %get3A_115, %and3A_117 : vector<16xi32>
        %swap3A_119 = arith.constant 16 : index
        %swap3A_120 = tpu.vector_load %arg11[%swap3A_119] {strides = array<i32>} : memref<128xi32, #tpu.memory_space<vmem>>, vector<16xi32>,
        %swap3A_121 = vector.shape_cast %swap3A_120 : vector<16xi32> to vector<16xi32>
        %swap3A_122 = vector.shape_cast %and3A_118 : vector<16xi32> to vector<16xi32>
        tpu.vector_store %arg11[%swap3A_119], %swap3A_122 {strides = array<i32>} : memref<128xi32, #tpu.memory_space<vmem>>, vector<16xi32>,
        %shift_right_logical3A_123 = arith.constant 7 : i32
        %shift_right_logical3A_124 = vector.broadcast %shift_right_logical3A_123 : i32 to vector<16xi32>
        %shift_right_logical3A_125 = arith.shrui %get3A_115, %shift_right_logical3A_124 : vector<16xi32>
        %swap3A_126 = arith.constant 16 : index
        %swap3A_127 = tpu.vector_load %arg12[%swap3A_126] {strides = array<i32>} : memref<128xi32, #tpu.memory_space<vmem>>, vector<16xi32>,
        %swap3A_128 = vector.shape_cast %swap3A_127 : vector<16xi32> to vector<16xi32>
        %swap3A_129 = vector.shape_cast %shift_right_logical3A_125 : vector<16xi32> to vector<16xi32>
        tpu.vector_store %arg12[%swap3A_126], %swap3A_129 {strides = array<i32>} : memref<128xi32, #tpu.memory_space<vmem>>, vector<16xi32>,
        %get3A_130 = arith.index_cast %rem3A_47 : i32 to index
        %get3A_131 = arith.index_cast %mul3A_51 : i32 to index
        %get3A_132 = arith.constant 32 : index
        %get3A_133 = tpu.vector_load %arg10[%get3A_130, %get3A_131, %get3A_132] {strides = array<i32>} : memref<2x8x128xi32, #tpu.memory_space<vmem>>, vector<1x1x16xi32>,
        %get3A_134 = vector.shape_cast %get3A_133 : vector<1x1x16xi32> to vector<16xi32>
        %and3A_135 = arith.constant 127 : i32
        %and3A_136 = vector.broadcast %and3A_135 : i32 to vector<16xi32>
        %and3A_137 = arith.andi %get3A_134, %and3A_136 : vector<16xi32>
        %swap3A_138 = arith.constant 32 : index
        %swap3A_139 = tpu.vector_load %arg11[%swap3A_138] {strides = array<i32>} : memref<128xi32, #tpu.memory_space<vmem>>, vector<16xi32>,
        %swap3A_140 = vector.shape_cast %swap3A_139 : vector<16xi32> to vector<16xi32>
        %swap3A_141 = vector.shape_cast %and3A_137 : vector<16xi32> to vector<16xi32>
        tpu.vector_store %arg11[%swap3A_138], %swap3A_141 {strides = array<i32>} : memref<128xi32, #tpu.memory_space<vmem>>, vector<16xi32>,
        %shift_right_logical3A_142 = arith.constant 7 : i32
        %shift_right_logical3A_143 = vector.broadcast %shift_right_logical3A_142 : i32 to vector<16xi32>
        %shift_right_logical3A_144 = arith.shrui %get3A_134, %shift_right_logical3A_143 : vector<16xi32>
        %swap3A_145 = arith.constant 32 : index
        %swap3A_146 = tpu.vector_load %arg12[%swap3A_145] {strides = array<i32>} : memref<128xi32, #tpu.memory_space<vmem>>, vector<16xi32>,
        %swap3A_147 = vector.shape_cast %swap3A_146 : vector<16xi32> to vector<16xi32>
        %swap3A_148 = vector.shape_cast %shift_right_logical3A_144 : vector<16xi32> to vector<16xi32>
        tpu.vector_store %arg12[%swap3A_145], %swap3A_148 {strides = array<i32>} : memref<128xi32, #tpu.memory_space<vmem>>, vector<16xi32>,
        %get3A_149 = arith.index_cast %rem3A_47 : i32 to index
        %get3A_150 = arith.index_cast %mul3A_51 : i32 to index
        %get3A_151 = arith.constant 48 : index
        %get3A_152 = tpu.vector_load %arg10[%get3A_149, %get3A_150, %get3A_151] {strides = array<i32>} : memref<2x8x128xi32, #tpu.memory_space<vmem>>, vector<1x1x16xi32>,
        %get3A_153 = vector.shape_cast %get3A_152 : vector<1x1x16xi32> to vector<16xi32>
        %and3A_154 = arith.constant 127 : i32
        %and3A_155 = vector.broadcast %and3A_154 : i32 to vector<16xi32>
        %and3A_156 = arith.andi %get3A_153, %and3A_155 : vector<16xi32>
        %swap3A_157 = arith.constant 48 : index
        %swap3A_158 = tpu.vector_load %arg11[%swap3A_157] {strides = array<i32>} : memref<128xi32, #tpu.memory_space<vmem>>, vector<16xi32>,
        %swap3A_159 = vector.shape_cast %swap3A_158 : vector<16xi32> to vector<16xi32>
        %swap3A_160 = vector.shape_cast %and3A_156 : vector<16xi32> to vector<16xi32>
        tpu.vector_store %arg11[%swap3A_157], %swap3A_160 {strides = array<i32>} : memref<128xi32, #tpu.memory_space<vmem>>, vector<16xi32>,
        %shift_right_logical3A_161 = arith.constant 7 : i32
        %shift_right_logical3A_162 = vector.broadcast %shift_right_logical3A_161 : i32 to vector<16xi32>
        %shift_right_logical3A_163 = arith.shrui %get3A_153, %shift_right_logical3A_162 : vector<16xi32>
        %swap3A_164 = arith.constant 48 : index
        %swap3A_165 = tpu.vector_load %arg12[%swap3A_164] {strides = array<i32>} : memref<128xi32, #tpu.memory_space<vmem>>, vector<16xi32>,
        %swap3A_166 = vector.shape_cast %swap3A_165 : vector<16xi32> to vector<16xi32>
        %swap3A_167 = vector.shape_cast %shift_right_logical3A_163 : vector<16xi32> to vector<16xi32>
        tpu.vector_store %arg12[%swap3A_164], %swap3A_167 {strides = array<i32>} : memref<128xi32, #tpu.memory_space<vmem>>, vector<16xi32>,
        %get3A_168 = arith.index_cast %rem3A_47 : i32 to index
        %get3A_169 = arith.index_cast %mul3A_51 : i32 to index
        %get3A_170 = arith.constant 64 : index
        %get3A_171 = tpu.vector_load %arg10[%get3A_168, %get3A_169, %get3A_170] {strides = array<i32>} : memref<2x8x128xi32, #tpu.memory_space<vmem>>, vector<1x1x16xi32>,
        %get3A_172 = vector.shape_cast %get3A_171 : vector<1x1x16xi32> to vector<16xi32>
        %and3A_173 = arith.constant 127 : i32
        %and3A_174 = vector.broadcast %and3A_173 : i32 to vector<16xi32>
        %and3A_175 = arith.andi %get3A_172, %and3A_174 : vector<16xi32>
        %swap3A_176 = arith.constant 64 : index
        %swap3A_177 = tpu.vector_load %arg11[%swap3A_176] {strides = array<i32>} : memref<128xi32, #tpu.memory_space<vmem>>, vector<16xi32>,
        %swap3A_178 = vector.shape_cast %swap3A_177 : vector<16xi32> to vector<16xi32>
        %swap3A_179 = vector.shape_cast %and3A_175 : vector<16xi32> to vector<16xi32>
        tpu.vector_store %arg11[%swap3A_176], %swap3A_179 {strides = array<i32>} : memref<128xi32, #tpu.memory_space<vmem>>, vector<16xi32>,
        %shift_right_logical3A_180 = arith.constant 7 : i32
        %shift_right_logical3A_181 = vector.broadcast %shift_right_logical3A_180 : i32 to vector<16xi32>
        %shift_right_logical3A_182 = arith.shrui %get3A_172, %shift_right_logical3A_181 : vector<16xi32>
        %swap3A_183 = arith.constant 64 : index
        %swap3A_184 = tpu.vector_load %arg12[%swap3A_183] {strides = array<i32>} : memref<128xi32, #tpu.memory_space<vmem>>, vector<16xi32>,
        %swap3A_185 = vector.shape_cast %swap3A_184 : vector<16xi32> to vector<16xi32>
        %swap3A_186 = vector.shape_cast %shift_right_logical3A_182 : vector<16xi32> to vector<16xi32>
        tpu.vector_store %arg12[%swap3A_183], %swap3A_186 {strides = array<i32>} : memref<128xi32, #tpu.memory_space<vmem>>, vector<16xi32>,
        %get3A_187 = arith.index_cast %rem3A_47 : i32 to index
        %get3A_188 = arith.index_cast %mul3A_51 : i32 to index
        %get3A_189 = arith.constant 80 : index
        %get3A_190 = tpu.vector_load %arg10[%get3A_187, %get3A_188, %get3A_189] {strides = array<i32>} : memref<2x8x128xi32, #tpu.memory_space<vmem>>, vector<1x1x16xi32>,
        %get3A_191 = vector.shape_cast %get3A_190 : vector<1x1x16xi32> to vector<16xi32>
        %and3A_192 = arith.constant 127 : i32
        %and3A_193 = vector.broadcast %and3A_192 : i32 to vector<16xi32>
        %and3A_194 = arith.andi %get3A_191, %and3A_193 : vector<16xi32>
        %swap3A_195 = arith.constant 80 : index
        %swap3A_196 = tpu.vector_load %arg11[%swap3A_195] {strides = array<i32>} : memref<128xi32, #tpu.memory_space<vmem>>, vector<16xi32>,
        %swap3A_197 = vector.shape_cast %swap3A_196 : vector<16xi32> to vector<16xi32>
        %swap3A_198 = vector.shape_cast %and3A_194 : vector<16xi32> to vector<16xi32>
        tpu.vector_store %arg11[%swap3A_195], %swap3A_198 {strides = array<i32>} : memref<128xi32, #tpu.memory_space<vmem>>, vector<16xi32>,
        %shift_right_logical3A_199 = arith.constant 7 : i32
        %shift_right_logical3A_200 = vector.broadcast %shift_right_logical3A_199 : i32 to vector<16xi32>
        %shift_right_logical3A_201 = arith.shrui %get3A_191, %shift_right_logical3A_200 : vector<16xi32>
        %swap3A_202 = arith.constant 80 : index
        %swap3A_203 = tpu.vector_load %arg12[%swap3A_202] {strides = array<i32>} : memref<128xi32, #tpu.memory_space<vmem>>, vector<16xi32>,
        %swap3A_204 = vector.shape_cast %swap3A_203 : vector<16xi32> to vector<16xi32>
        %swap3A_205 = vector.shape_cast %shift_right_logical3A_201 : vector<16xi32> to vector<16xi32>
        tpu.vector_store %arg12[%swap3A_202], %swap3A_205 {strides = array<i32>} : memref<128xi32, #tpu.memory_space<vmem>>, vector<16xi32>,
        %get3A_206 = arith.index_cast %rem3A_47 : i32 to index
        %get3A_207 = arith.index_cast %mul3A_51 : i32 to index
        %get3A_208 = arith.constant 96 : index
        %get3A_209 = tpu.vector_load %arg10[%get3A_206, %get3A_207, %get3A_208] {strides = array<i32>} : memref<2x8x128xi32, #tpu.memory_space<vmem>>, vector<1x1x16xi32>,
        %get3A_210 = vector.shape_cast %get3A_209 : vector<1x1x16xi32> to vector<16xi32>
        %and3A_211 = arith.constant 127 : i32
        %and3A_212 = vector.broadcast %and3A_211 : i32 to vector<16xi32>
        %and3A_213 = arith.andi %get3A_210, %and3A_212 : vector<16xi32>
        %swap3A_214 = arith.constant 96 : index
        %swap3A_215 = tpu.vector_load %arg11[%swap3A_214] {strides = array<i32>} : memref<128xi32, #tpu.memory_space<vmem>>, vector<16xi32>,
        %swap3A_216 = vector.shape_cast %swap3A_215 : vector<16xi32> to vector<16xi32>
        %swap3A_217 = vector.shape_cast %and3A_213 : vector<16xi32> to vector<16xi32>
        tpu.vector_store %arg11[%swap3A_214], %swap3A_217 {strides = array<i32>} : memref<128xi32, #tpu.memory_space<vmem>>, vector<16xi32>,
        %shift_right_logical3A_218 = arith.constant 7 : i32
        %shift_right_logical3A_219 = vector.broadcast %shift_right_logical3A_218 : i32 to vector<16xi32>
        %shift_right_logical3A_220 = arith.shrui %get3A_210, %shift_right_logical3A_219 : vector<16xi32>
        %swap3A_221 = arith.constant 96 : index
        %swap3A_222 = tpu.vector_load %arg12[%swap3A_221] {strides = array<i32>} : memref<128xi32, #tpu.memory_space<vmem>>, vector<16xi32>,
        %swap3A_223 = vector.shape_cast %swap3A_222 : vector<16xi32> to vector<16xi32>
        %swap3A_224 = vector.shape_cast %shift_right_logical3A_220 : vector<16xi32> to vector<16xi32>
        tpu.vector_store %arg12[%swap3A_221], %swap3A_224 {strides = array<i32>} : memref<128xi32, #tpu.memory_space<vmem>>, vector<16xi32>,
        %get3A_225 = arith.index_cast %rem3A_47 : i32 to index
        %get3A_226 = arith.index_cast %mul3A_51 : i32 to index
        %get3A_227 = arith.constant 112 : index
        %get3A_228 = tpu.vector_load %arg10[%get3A_225, %get3A_226, %get3A_227] {strides = array<i32>} : memref<2x8x128xi32, #tpu.memory_space<vmem>>, vector<1x1x16xi32>,
        %get3A_229 = vector.shape_cast %get3A_228 : vector<1x1x16xi32> to vector<16xi32>
        %and3A_230 = arith.constant 127 : i32
        %and3A_231 = vector.broadcast %and3A_230 : i32 to vector<16xi32>
        %and3A_232 = arith.andi %get3A_229, %and3A_231 : vector<16xi32>
        %swap3A_233 = arith.constant 112 : index
        %swap3A_234 = tpu.vector_load %arg11[%swap3A_233] {strides = array<i32>} : memref<128xi32, #tpu.memory_space<vmem>>, vector<16xi32>,
        %swap3A_235 = vector.shape_cast %swap3A_234 : vector<16xi32> to vector<16xi32>
        %swap3A_236 = vector.shape_cast %and3A_232 : vector<16xi32> to vector<16xi32>
        tpu.vector_store %arg11[%swap3A_233], %swap3A_236 {strides = array<i32>} : memref<128xi32, #tpu.memory_space<vmem>>, vector<16xi32>,
        %shift_right_logical3A_237 = arith.constant 7 : i32
        %shift_right_logical3A_238 = vector.broadcast %shift_right_logical3A_237 : i32 to vector<16xi32>
        %shift_right_logical3A_239 = arith.shrui %get3A_229, %shift_right_logical3A_238 : vector<16xi32>
        %swap3A_240 = arith.constant 112 : index
        %swap3A_241 = tpu.vector_load %arg12[%swap3A_240] {strides = array<i32>} : memref<128xi32, #tpu.memory_space<vmem>>, vector<16xi32>,
        %swap3A_242 = vector.shape_cast %swap3A_241 : vector<16xi32> to vector<16xi32>
        %swap3A_243 = vector.shape_cast %shift_right_logical3A_239 : vector<16xi32> to vector<16xi32>
        tpu.vector_store %arg12[%swap3A_240], %swap3A_243 {strides = array<i32>} : memref<128xi32, #tpu.memory_space<vmem>>, vector<16xi32>,
        %dma_start3A_244 = arith.constant 0 : i32
        %dma_start3A_245 = arith.constant 0 : i32
        %dma_start3A_246 = tpu.memref_slice %arg17[%dma_start3A_244, %dma_start3A_245] : memref<128x128xf32, #tpu.memory_space<vmem_shared>> -> memref<128x128xf32, #tpu.memory_space<vmem_shared>>
        tpu.enqueue_indirect_dma source(%dma_start3A_246 : memref<128x128xf32, #tpu.memory_space<vmem_shared>>) target(%arg14 : memref<128x128xf32, #tpu.memory_space<vmem>>) offsets(%arg11 : memref<128xi32, #tpu.memory_space<vmem>>) semaphore(%arg19 : memref<!tpu.dma_semaphore, #tpu.memory_space<semaphore_mem>>)
        %dma_wait3A_247 = arith.constant 0 : i32
        %dma_wait3A_248 = arith.constant 0 : i32
        %dma_wait3A_249 = tpu.memref_slice %arg17[%dma_wait3A_247, %dma_wait3A_248] : memref<128x128xf32, #tpu.memory_space<vmem_shared>> -> memref<128x128xf32, #tpu.memory_space<vmem_shared>>
        tpu.wait_indirect_dma semaphore(%arg19 : memref<!tpu.dma_semaphore, #tpu.memory_space<semaphore_mem>>) src(%dma_wait3A_249 : memref<128x128xf32, #tpu.memory_space<vmem_shared>>) dst(%arg14 : memref<128x128xf32, #tpu.memory_space<vmem>>)
        "tpu.region"() ({
          %run_scoped3A = tpu.sem_alloc : memref<!tpu.dma_semaphore, #tpu.memory_space<semaphore_mem>>
          %dma_start3A_250 = arith.constant 0 : i32
          %dma_start3A_251 = arith.constant 0 : i32
          %dma_start3A_252 = tpu.memref_slice %arg16[%dma_start3A_250, %dma_start3A_251] : memref<80x128xf32, #tpu.memory_space<vmem_shared>> -> memref<80x128xf32, #tpu.memory_space<vmem_shared>>
          tpu.enqueue_indirect_dma source(%arg14 : memref<128x128xf32, #tpu.memory_space<vmem>>) target(%dma_start3A_252 : memref<80x128xf32, #tpu.memory_space<vmem_shared>>) offsets(%arg12 : memref<128xi32, #tpu.memory_space<vmem>>) semaphore(%run_scoped3A : memref<!tpu.dma_semaphore, #tpu.memory_space<semaphore_mem>>) {add = true}
          %dma_wait3A_253 = arith.constant 0 : i32
          %dma_wait3A_254 = arith.constant 0 : i32
          %dma_wait3A_255 = tpu.memref_slice %arg16[%dma_wait3A_253, %dma_wait3A_254] : memref<80x128xf32, #tpu.memory_space<vmem_shared>> -> memref<80x128xf32, #tpu.memory_space<vmem_shared>>
          tpu.wait_indirect_dma semaphore(%run_scoped3A : memref<!tpu.dma_semaphore, #tpu.memory_space<semaphore_mem>>) src(%arg14 : memref<128x128xf32, #tpu.memory_space<vmem>>) dst(%dma_wait3A_255 : memref<80x128xf32, #tpu.memory_space<vmem_shared>>)
          tpu.yield
        }) : () -> ()
      } else {
      }
      %eq3A_90 = arith.constant 1 : i32
      %eq3A_91 = arith.cmpi eq, %arg0, %eq3A_90 : i32
      %convert_element_type3A_92 = arith.extui %eq3A_91 : i1 to i32
      %cond3A_93 = arith.constant 0 : i32
      %cond3A_94 = arith.cmpi ne, %convert_element_type3A_92, %cond3A_93 : i32
      scf.if %cond3A_94 {
        %add3A_96 = arith.constant 1 : i32
        %add3A_97 = arith.addi %mul3A_51, %add3A_96 : i32
        %get3A = arith.index_cast %rem3A_47 : i32 to index
        %get3A_98 = arith.index_cast %add3A_97 : i32 to index
        %get3A_99 = arith.constant 0 : index
        %get3A_100 = tpu.vector_load %arg10[%get3A, %get3A_98, %get3A_99] {strides = array<i32>} : memref<2x8x128xi32, #tpu.memory_space<vmem>>, vector<1x1x16xi32>,
        %get3A_101 = vector.shape_cast %get3A_100 : vector<1x1x16xi32> to vector<16xi32>
        %and3A = arith.constant 127 : i32
        %and3A_102 = vector.broadcast %and3A : i32 to vector<16xi32>
        %and3A_103 = arith.andi %get3A_101, %and3A_102 : vector<16xi32>
        %swap3A = arith.constant 0 : index
        %swap3A_104 = tpu.vector_load %arg11[%swap3A] {strides = array<i32>} : memref<128xi32, #tpu.memory_space<vmem>>, vector<16xi32>,
        %swap3A_105 = vector.shape_cast %swap3A_104 : vector<16xi32> to vector<16xi32>
        %swap3A_106 = vector.shape_cast %and3A_103 : vector<16xi32> to vector<16xi32>
        tpu.vector_store %arg11[%swap3A], %swap3A_106 {strides = array<i32>} : memref<128xi32, #tpu.memory_space<vmem>>, vector<16xi32>,
        %shift_right_logical3A = arith.constant 7 : i32
        %shift_right_logical3A_107 = vector.broadcast %shift_right_logical3A : i32 to vector<16xi32>
        %shift_right_logical3A_108 = arith.shrui %get3A_101, %shift_right_logical3A_107 : vector<16xi32>
        %swap3A_109 = arith.constant 0 : index
        %swap3A_110 = tpu.vector_load %arg12[%swap3A_109] {strides = array<i32>} : memref<128xi32, #tpu.memory_space<vmem>>, vector<16xi32>,
        %swap3A_111 = vector.shape_cast %swap3A_110 : vector<16xi32> to vector<16xi32>
        %swap3A_112 = vector.shape_cast %shift_right_logical3A_108 : vector<16xi32> to vector<16xi32>
        tpu.vector_store %arg12[%swap3A_109], %swap3A_112 {strides = array<i32>} : memref<128xi32, #tpu.memory_space<vmem>>, vector<16xi32>,
        %get3A_113 = arith.index_cast %rem3A_47 : i32 to index
        %get3A_114 = arith.index_cast %add3A_97 : i32 to index
        %get3A_115 = arith.constant 16 : index
        %get3A_116 = tpu.vector_load %arg10[%get3A_113, %get3A_114, %get3A_115] {strides = array<i32>} : memref<2x8x128xi32, #tpu.memory_space<vmem>>, vector<1x1x16xi32>,
        %get3A_117 = vector.shape_cast %get3A_116 : vector<1x1x16xi32> to vector<16xi32>
        %and3A_118 = arith.constant 127 : i32
        %and3A_119 = vector.broadcast %and3A_118 : i32 to vector<16xi32>
        %and3A_120 = arith.andi %get3A_117, %and3A_119 : vector<16xi32>
        %swap3A_121 = arith.constant 16 : index
        %swap3A_122 = tpu.vector_load %arg11[%swap3A_121] {strides = array<i32>} : memref<128xi32, #tpu.memory_space<vmem>>, vector<16xi32>,
        %swap3A_123 = vector.shape_cast %swap3A_122 : vector<16xi32> to vector<16xi32>
        %swap3A_124 = vector.shape_cast %and3A_120 : vector<16xi32> to vector<16xi32>
        tpu.vector_store %arg11[%swap3A_121], %swap3A_124 {strides = array<i32>} : memref<128xi32, #tpu.memory_space<vmem>>, vector<16xi32>,
        %shift_right_logical3A_125 = arith.constant 7 : i32
        %shift_right_logical3A_126 = vector.broadcast %shift_right_logical3A_125 : i32 to vector<16xi32>
        %shift_right_logical3A_127 = arith.shrui %get3A_117, %shift_right_logical3A_126 : vector<16xi32>
        %swap3A_128 = arith.constant 16 : index
        %swap3A_129 = tpu.vector_load %arg12[%swap3A_128] {strides = array<i32>} : memref<128xi32, #tpu.memory_space<vmem>>, vector<16xi32>,
        %swap3A_130 = vector.shape_cast %swap3A_129 : vector<16xi32> to vector<16xi32>
        %swap3A_131 = vector.shape_cast %shift_right_logical3A_127 : vector<16xi32> to vector<16xi32>
        tpu.vector_store %arg12[%swap3A_128], %swap3A_131 {strides = array<i32>} : memref<128xi32, #tpu.memory_space<vmem>>, vector<16xi32>,
        %get3A_132 = arith.index_cast %rem3A_47 : i32 to index
        %get3A_133 = arith.index_cast %add3A_97 : i32 to index
        %get3A_134 = arith.constant 32 : index
        %get3A_135 = tpu.vector_load %arg10[%get3A_132, %get3A_133, %get3A_134] {strides = array<i32>} : memref<2x8x128xi32, #tpu.memory_space<vmem>>, vector<1x1x16xi32>,
        %get3A_136 = vector.shape_cast %get3A_135 : vector<1x1x16xi32> to vector<16xi32>
        %and3A_137 = arith.constant 127 : i32
        %and3A_138 = vector.broadcast %and3A_137 : i32 to vector<16xi32>
        %and3A_139 = arith.andi %get3A_136, %and3A_138 : vector<16xi32>
        %swap3A_140 = arith.constant 32 : index
        %swap3A_141 = tpu.vector_load %arg11[%swap3A_140] {strides = array<i32>} : memref<128xi32, #tpu.memory_space<vmem>>, vector<16xi32>,
        %swap3A_142 = vector.shape_cast %swap3A_141 : vector<16xi32> to vector<16xi32>
        %swap3A_143 = vector.shape_cast %and3A_139 : vector<16xi32> to vector<16xi32>
        tpu.vector_store %arg11[%swap3A_140], %swap3A_143 {strides = array<i32>} : memref<128xi32, #tpu.memory_space<vmem>>, vector<16xi32>,
        %shift_right_logical3A_144 = arith.constant 7 : i32
        %shift_right_logical3A_145 = vector.broadcast %shift_right_logical3A_144 : i32 to vector<16xi32>
        %shift_right_logical3A_146 = arith.shrui %get3A_136, %shift_right_logical3A_145 : vector<16xi32>
        %swap3A_147 = arith.constant 32 : index
        %swap3A_148 = tpu.vector_load %arg12[%swap3A_147] {strides = array<i32>} : memref<128xi32, #tpu.memory_space<vmem>>, vector<16xi32>,
        %swap3A_149 = vector.shape_cast %swap3A_148 : vector<16xi32> to vector<16xi32>
        %swap3A_150 = vector.shape_cast %shift_right_logical3A_146 : vector<16xi32> to vector<16xi32>
        tpu.vector_store %arg12[%swap3A_147], %swap3A_150 {strides = array<i32>} : memref<128xi32, #tpu.memory_space<vmem>>, vector<16xi32>,
        %get3A_151 = arith.index_cast %rem3A_47 : i32 to index
        %get3A_152 = arith.index_cast %add3A_97 : i32 to index
        %get3A_153 = arith.constant 48 : index
        %get3A_154 = tpu.vector_load %arg10[%get3A_151, %get3A_152, %get3A_153] {strides = array<i32>} : memref<2x8x128xi32, #tpu.memory_space<vmem>>, vector<1x1x16xi32>,
        %get3A_155 = vector.shape_cast %get3A_154 : vector<1x1x16xi32> to vector<16xi32>
        %and3A_156 = arith.constant 127 : i32
        %and3A_157 = vector.broadcast %and3A_156 : i32 to vector<16xi32>
        %and3A_158 = arith.andi %get3A_155, %and3A_157 : vector<16xi32>
        %swap3A_159 = arith.constant 48 : index
        %swap3A_160 = tpu.vector_load %arg11[%swap3A_159] {strides = array<i32>} : memref<128xi32, #tpu.memory_space<vmem>>, vector<16xi32>,
        %swap3A_161 = vector.shape_cast %swap3A_160 : vector<16xi32> to vector<16xi32>
        %swap3A_162 = vector.shape_cast %and3A_158 : vector<16xi32> to vector<16xi32>
        tpu.vector_store %arg11[%swap3A_159], %swap3A_162 {strides = array<i32>} : memref<128xi32, #tpu.memory_space<vmem>>, vector<16xi32>,
        %shift_right_logical3A_163 = arith.constant 7 : i32
        %shift_right_logical3A_164 = vector.broadcast %shift_right_logical3A_163 : i32 to vector<16xi32>
        %shift_right_logical3A_165 = arith.shrui %get3A_155, %shift_right_logical3A_164 : vector<16xi32>
        %swap3A_166 = arith.constant 48 : index
        %swap3A_167 = tpu.vector_load %arg12[%swap3A_166] {strides = array<i32>} : memref<128xi32, #tpu.memory_space<vmem>>, vector<16xi32>,
        %swap3A_168 = vector.shape_cast %swap3A_167 : vector<16xi32> to vector<16xi32>
        %swap3A_169 = vector.shape_cast %shift_right_logical3A_165 : vector<16xi32> to vector<16xi32>
        tpu.vector_store %arg12[%swap3A_166], %swap3A_169 {strides = array<i32>} : memref<128xi32, #tpu.memory_space<vmem>>, vector<16xi32>,
        %get3A_170 = arith.index_cast %rem3A_47 : i32 to index
        %get3A_171 = arith.index_cast %add3A_97 : i32 to index
        %get3A_172 = arith.constant 64 : index
        %get3A_173 = tpu.vector_load %arg10[%get3A_170, %get3A_171, %get3A_172] {strides = array<i32>} : memref<2x8x128xi32, #tpu.memory_space<vmem>>, vector<1x1x16xi32>,
        %get3A_174 = vector.shape_cast %get3A_173 : vector<1x1x16xi32> to vector<16xi32>
        %and3A_175 = arith.constant 127 : i32
        %and3A_176 = vector.broadcast %and3A_175 : i32 to vector<16xi32>
        %and3A_177 = arith.andi %get3A_174, %and3A_176 : vector<16xi32>
        %swap3A_178 = arith.constant 64 : index
        %swap3A_179 = tpu.vector_load %arg11[%swap3A_178] {strides = array<i32>} : memref<128xi32, #tpu.memory_space<vmem>>, vector<16xi32>,
        %swap3A_180 = vector.shape_cast %swap3A_179 : vector<16xi32> to vector<16xi32>
        %swap3A_181 = vector.shape_cast %and3A_177 : vector<16xi32> to vector<16xi32>
        tpu.vector_store %arg11[%swap3A_178], %swap3A_181 {strides = array<i32>} : memref<128xi32, #tpu.memory_space<vmem>>, vector<16xi32>,
        %shift_right_logical3A_182 = arith.constant 7 : i32
        %shift_right_logical3A_183 = vector.broadcast %shift_right_logical3A_182 : i32 to vector<16xi32>
        %shift_right_logical3A_184 = arith.shrui %get3A_174, %shift_right_logical3A_183 : vector<16xi32>
        %swap3A_185 = arith.constant 64 : index
        %swap3A_186 = tpu.vector_load %arg12[%swap3A_185] {strides = array<i32>} : memref<128xi32, #tpu.memory_space<vmem>>, vector<16xi32>,
        %swap3A_187 = vector.shape_cast %swap3A_186 : vector<16xi32> to vector<16xi32>
        %swap3A_188 = vector.shape_cast %shift_right_logical3A_184 : vector<16xi32> to vector<16xi32>
        tpu.vector_store %arg12[%swap3A_185], %swap3A_188 {strides = array<i32>} : memref<128xi32, #tpu.memory_space<vmem>>, vector<16xi32>,
        %get3A_189 = arith.index_cast %rem3A_47 : i32 to index
        %get3A_190 = arith.index_cast %add3A_97 : i32 to index
        %get3A_191 = arith.constant 80 : index
        %get3A_192 = tpu.vector_load %arg10[%get3A_189, %get3A_190, %get3A_191] {strides = array<i32>} : memref<2x8x128xi32, #tpu.memory_space<vmem>>, vector<1x1x16xi32>,
        %get3A_193 = vector.shape_cast %get3A_192 : vector<1x1x16xi32> to vector<16xi32>
        %and3A_194 = arith.constant 127 : i32
        %and3A_195 = vector.broadcast %and3A_194 : i32 to vector<16xi32>
        %and3A_196 = arith.andi %get3A_193, %and3A_195 : vector<16xi32>
        %swap3A_197 = arith.constant 80 : index
        %swap3A_198 = tpu.vector_load %arg11[%swap3A_197] {strides = array<i32>} : memref<128xi32, #tpu.memory_space<vmem>>, vector<16xi32>,
        %swap3A_199 = vector.shape_cast %swap3A_198 : vector<16xi32> to vector<16xi32>
        %swap3A_200 = vector.shape_cast %and3A_196 : vector<16xi32> to vector<16xi32>
        tpu.vector_store %arg11[%swap3A_197], %swap3A_200 {strides = array<i32>} : memref<128xi32, #tpu.memory_space<vmem>>, vector<16xi32>,
        %shift_right_logical3A_201 = arith.constant 7 : i32
        %shift_right_logical3A_202 = vector.broadcast %shift_right_logical3A_201 : i32 to vector<16xi32>
        %shift_right_logical3A_203 = arith.shrui %get3A_193, %shift_right_logical3A_202 : vector<16xi32>
        %swap3A_204 = arith.constant 80 : index
        %swap3A_205 = tpu.vector_load %arg12[%swap3A_204] {strides = array<i32>} : memref<128xi32, #tpu.memory_space<vmem>>, vector<16xi32>,
        %swap3A_206 = vector.shape_cast %swap3A_205 : vector<16xi32> to vector<16xi32>
        %swap3A_207 = vector.shape_cast %shift_right_logical3A_203 : vector<16xi32> to vector<16xi32>
        tpu.vector_store %arg12[%swap3A_204], %swap3A_207 {strides = array<i32>} : memref<128xi32, #tpu.memory_space<vmem>>, vector<16xi32>,
        %get3A_208 = arith.index_cast %rem3A_47 : i32 to index
        %get3A_209 = arith.index_cast %add3A_97 : i32 to index
        %get3A_210 = arith.constant 96 : index
        %get3A_211 = tpu.vector_load %arg10[%get3A_208, %get3A_209, %get3A_210] {strides = array<i32>} : memref<2x8x128xi32, #tpu.memory_space<vmem>>, vector<1x1x16xi32>,
        %get3A_212 = vector.shape_cast %get3A_211 : vector<1x1x16xi32> to vector<16xi32>
        %and3A_213 = arith.constant 127 : i32
        %and3A_214 = vector.broadcast %and3A_213 : i32 to vector<16xi32>
        %and3A_215 = arith.andi %get3A_212, %and3A_214 : vector<16xi32>
        %swap3A_216 = arith.constant 96 : index
        %swap3A_217 = tpu.vector_load %arg11[%swap3A_216] {strides = array<i32>} : memref<128xi32, #tpu.memory_space<vmem>>, vector<16xi32>,
        %swap3A_218 = vector.shape_cast %swap3A_217 : vector<16xi32> to vector<16xi32>
        %swap3A_219 = vector.shape_cast %and3A_215 : vector<16xi32> to vector<16xi32>
        tpu.vector_store %arg11[%swap3A_216], %swap3A_219 {strides = array<i32>} : memref<128xi32, #tpu.memory_space<vmem>>, vector<16xi32>,
        %shift_right_logical3A_220 = arith.constant 7 : i32
        %shift_right_logical3A_221 = vector.broadcast %shift_right_logical3A_220 : i32 to vector<16xi32>
        %shift_right_logical3A_222 = arith.shrui %get3A_212, %shift_right_logical3A_221 : vector<16xi32>
        %swap3A_223 = arith.constant 96 : index
        %swap3A_224 = tpu.vector_load %arg12[%swap3A_223] {strides = array<i32>} : memref<128xi32, #tpu.memory_space<vmem>>, vector<16xi32>,
        %swap3A_225 = vector.shape_cast %swap3A_224 : vector<16xi32> to vector<16xi32>
        %swap3A_226 = vector.shape_cast %shift_right_logical3A_222 : vector<16xi32> to vector<16xi32>
        tpu.vector_store %arg12[%swap3A_223], %swap3A_226 {strides = array<i32>} : memref<128xi32, #tpu.memory_space<vmem>>, vector<16xi32>,
        %get3A_227 = arith.index_cast %rem3A_47 : i32 to index
        %get3A_228 = arith.index_cast %add3A_97 : i32 to index
        %get3A_229 = arith.constant 112 : index
        %get3A_230 = tpu.vector_load %arg10[%get3A_227, %get3A_228, %get3A_229] {strides = array<i32>} : memref<2x8x128xi32, #tpu.memory_space<vmem>>, vector<1x1x16xi32>,
        %get3A_231 = vector.shape_cast %get3A_230 : vector<1x1x16xi32> to vector<16xi32>
        %and3A_232 = arith.constant 127 : i32
        %and3A_233 = vector.broadcast %and3A_232 : i32 to vector<16xi32>
        %and3A_234 = arith.andi %get3A_231, %and3A_233 : vector<16xi32>
        %swap3A_235 = arith.constant 112 : index
        %swap3A_236 = tpu.vector_load %arg11[%swap3A_235] {strides = array<i32>} : memref<128xi32, #tpu.memory_space<vmem>>, vector<16xi32>,
        %swap3A_237 = vector.shape_cast %swap3A_236 : vector<16xi32> to vector<16xi32>
        %swap3A_238 = vector.shape_cast %and3A_234 : vector<16xi32> to vector<16xi32>
        tpu.vector_store %arg11[%swap3A_235], %swap3A_238 {strides = array<i32>} : memref<128xi32, #tpu.memory_space<vmem>>, vector<16xi32>,
        %shift_right_logical3A_239 = arith.constant 7 : i32
        %shift_right_logical3A_240 = vector.broadcast %shift_right_logical3A_239 : i32 to vector<16xi32>
        %shift_right_logical3A_241 = arith.shrui %get3A_231, %shift_right_logical3A_240 : vector<16xi32>
        %swap3A_242 = arith.constant 112 : index
        %swap3A_243 = tpu.vector_load %arg12[%swap3A_242] {strides = array<i32>} : memref<128xi32, #tpu.memory_space<vmem>>, vector<16xi32>,
        %swap3A_244 = vector.shape_cast %swap3A_243 : vector<16xi32> to vector<16xi32>
        %swap3A_245 = vector.shape_cast %shift_right_logical3A_241 : vector<16xi32> to vector<16xi32>
        tpu.vector_store %arg12[%swap3A_242], %swap3A_245 {strides = array<i32>} : memref<128xi32, #tpu.memory_space<vmem>>, vector<16xi32>,
        %dma_start3A_246 = arith.constant 0 : i32
        %dma_start3A_247 = arith.constant 0 : i32
        %dma_start3A_248 = tpu.memref_slice %arg17[%dma_start3A_246, %dma_start3A_247] : memref<128x128xf32, #tpu.memory_space<vmem_shared>> -> memref<128x128xf32, #tpu.memory_space<vmem_shared>>
        tpu.enqueue_indirect_dma source(%dma_start3A_248 : memref<128x128xf32, #tpu.memory_space<vmem_shared>>) target(%arg14 : memref<128x128xf32, #tpu.memory_space<vmem>>) offsets(%arg11 : memref<128xi32, #tpu.memory_space<vmem>>) semaphore(%arg19 : memref<!tpu.dma_semaphore, #tpu.memory_space<semaphore_mem>>)
        %dma_wait3A_249 = arith.constant 0 : i32
        %dma_wait3A_250 = arith.constant 0 : i32
        %dma_wait3A_251 = tpu.memref_slice %arg17[%dma_wait3A_249, %dma_wait3A_250] : memref<128x128xf32, #tpu.memory_space<vmem_shared>> -> memref<128x128xf32, #tpu.memory_space<vmem_shared>>
        tpu.wait_indirect_dma semaphore(%arg19 : memref<!tpu.dma_semaphore, #tpu.memory_space<semaphore_mem>>) src(%dma_wait3A_251 : memref<128x128xf32, #tpu.memory_space<vmem_shared>>) dst(%arg14 : memref<128x128xf32, #tpu.memory_space<vmem>>)
        "tpu.region"() ({
          %run_scoped3A = tpu.sem_alloc : memref<!tpu.dma_semaphore, #tpu.memory_space<semaphore_mem>>
          %dma_start3A_252 = arith.constant 0 : i32
          %dma_start3A_253 = arith.constant 0 : i32
          %dma_start3A_254 = tpu.memref_slice %arg16[%dma_start3A_252, %dma_start3A_253] : memref<80x128xf32, #tpu.memory_space<vmem_shared>> -> memref<80x128xf32, #tpu.memory_space<vmem_shared>>
          tpu.enqueue_indirect_dma source(%arg14 : memref<128x128xf32, #tpu.memory_space<vmem>>) target(%dma_start3A_254 : memref<80x128xf32, #tpu.memory_space<vmem_shared>>) offsets(%arg12 : memref<128xi32, #tpu.memory_space<vmem>>) semaphore(%run_scoped3A : memref<!tpu.dma_semaphore, #tpu.memory_space<semaphore_mem>>) {add = true}
          %dma_wait3A_255 = arith.constant 0 : i32
          %dma_wait3A_256 = arith.constant 0 : i32
          %dma_wait3A_257 = tpu.memref_slice %arg16[%dma_wait3A_255, %dma_wait3A_256] : memref<80x128xf32, #tpu.memory_space<vmem_shared>> -> memref<80x128xf32, #tpu.memory_space<vmem_shared>>
          tpu.wait_indirect_dma semaphore(%run_scoped3A : memref<!tpu.dma_semaphore, #tpu.memory_space<semaphore_mem>>) src(%arg14 : memref<128x128xf32, #tpu.memory_space<vmem>>) dst(%dma_wait3A_257 : memref<80x128xf32, #tpu.memory_space<vmem_shared>>)
          tpu.yield
        }) : () -> ()
      } else {
      }
      %scan3A_95 = arith.constant 0 : i32
      scf.yield %scan3A_95 : i32
    }
    %scan3A_35 = arith.constant 40 : i32
    %barrier3A_36 = arith.constant 0 : index
    tpu.barrier barrier_id(%barrier3A_36)
    "tpu.region"() ({
      %run_scoped3A = tpu.sem_alloc : memref<!tpu.dma_semaphore, #tpu.memory_space<semaphore_mem>>
      %dma_start3A_42 = arith.constant 0 : i32
      %dma_start3A_43 = tpu.memref_slice %arg7[%arg0, %mul3A_0, %dma_start3A_42] : memref<2x10112x128xf32, #tpu.memory_space<hbm>> -> memref<1x632x128xf32, #tpu.memory_space<hbm>>
      %dma_start3A_44 = tpu.memref_squeeze %dma_start3A_43 : memref<1x632x128xf32, #tpu.memory_space<hbm>> -> memref<632x128xf32, #tpu.memory_space<hbm>>
      %dma_start3A_45 = arith.constant 0 : i32
      %dma_start3A_46 = tpu.memref_slice %arg15[%mul3A_0, %dma_start3A_45] : memref<10112x128xf32, #tpu.memory_space<vmem_shared>> -> memref<632x128xf32, #tpu.memory_space<vmem_shared>>
      tpu.enqueue_dma source(%dma_start3A_46 : memref<632x128xf32, #tpu.memory_space<vmem_shared>>) target(%dma_start3A_44 : memref<632x128xf32, #tpu.memory_space<hbm>>) target_semaphore(%run_scoped3A : memref<!tpu.dma_semaphore, #tpu.memory_space<semaphore_mem>>)
      %dma_wait3A = arith.constant 0 : i32
      %dma_wait3A_47 = tpu.memref_slice %arg7[%arg0, %mul3A_0, %dma_wait3A] : memref<2x10112x128xf32, #tpu.memory_space<hbm>> -> memref<1x632x128xf32, #tpu.memory_space<hbm>>
      %dma_wait3A_48 = tpu.memref_squeeze %dma_wait3A_47 : memref<1x632x128xf32, #tpu.memory_space<hbm>> -> memref<632x128xf32, #tpu.memory_space<hbm>>
      %dma_wait3A_49 = arith.constant 0 : i32
      %dma_wait3A_50 = tpu.memref_slice %arg15[%mul3A_0, %dma_wait3A_49] : memref<10112x128xf32, #tpu.memory_space<vmem_shared>> -> memref<632x128xf32, #tpu.memory_space<vmem_shared>>
      tpu.wait_dma2 semaphore(%run_scoped3A : memref<!tpu.dma_semaphore, #tpu.memory_space<semaphore_mem>>) src(%dma_wait3A_50 : memref<632x128xf32, #tpu.memory_space<vmem_shared>>) dst(%dma_wait3A_48 : memref<632x128xf32, #tpu.memory_space<hbm>>)
      tpu.yield
    }) : () -> ()
    %lt3A_37 = arith.constant 10 : i32
    %lt3A_38 = arith.cmpi slt, %arg1, %lt3A_37 : i32
    %convert_element_type3A_39 = arith.extui %lt3A_38 : i1 to i32
    %cond3A_40 = arith.constant 0 : i32
    %cond3A_41 = arith.cmpi ne, %convert_element_type3A_39, %cond3A_40 : i32
    scf.if %cond3A_41 {
      %mul3A_42 = arith.constant 8 : i32
      %mul3A_43 = arith.muli %arg1, %mul3A_42 : i32
      %mul3A_44 = arith.constant 8 : i32
      %mul3A_45 = arith.muli %arg1, %mul3A_44 : i32
      "tpu.region"() ({
        %run_scoped3A = tpu.sem_alloc : memref<!tpu.dma_semaphore, #tpu.memory_space<semaphore_mem>>
        %dma_start3A_46 = arith.constant 0 : i32
        %dma_start3A_47 = tpu.memref_slice %arg8[%arg0, %mul3A_45, %dma_start3A_46] : memref<2x80x128xf32, #tpu.memory_space<hbm>> -> memref<1x8x128xf32, #tpu.memory_space<hbm>>
        %dma_start3A_48 = tpu.memref_squeeze %dma_start3A_47 : memref<1x8x128xf32, #tpu.memory_space<hbm>> -> memref<8x128xf32, #tpu.memory_space<hbm>>
        %dma_start3A_49 = arith.constant 0 : i32
        %dma_start3A_50 = tpu.memref_slice %arg16[%mul3A_43, %dma_start3A_49] : memref<80x128xf32, #tpu.memory_space<vmem_shared>> -> memref<8x128xf32, #tpu.memory_space<vmem_shared>>
        tpu.enqueue_dma source(%dma_start3A_50 : memref<8x128xf32, #tpu.memory_space<vmem_shared>>) target(%dma_start3A_48 : memref<8x128xf32, #tpu.memory_space<hbm>>) target_semaphore(%run_scoped3A : memref<!tpu.dma_semaphore, #tpu.memory_space<semaphore_mem>>)
        %dma_wait3A = arith.constant 0 : i32
        %dma_wait3A_51 = tpu.memref_slice %arg8[%arg0, %mul3A_45, %dma_wait3A] : memref<2x80x128xf32, #tpu.memory_space<hbm>> -> memref<1x8x128xf32, #tpu.memory_space<hbm>>
        %dma_wait3A_52 = tpu.memref_squeeze %dma_wait3A_51 : memref<1x8x128xf32, #tpu.memory_space<hbm>> -> memref<8x128xf32, #tpu.memory_space<hbm>>
        %dma_wait3A_53 = arith.constant 0 : i32
        %dma_wait3A_54 = tpu.memref_slice %arg16[%mul3A_43, %dma_wait3A_53] : memref<80x128xf32, #tpu.memory_space<vmem_shared>> -> memref<8x128xf32, #tpu.memory_space<vmem_shared>>
        tpu.wait_dma2 semaphore(%run_scoped3A : memref<!tpu.dma_semaphore, #tpu.memory_space<semaphore_mem>>) src(%dma_wait3A_54 : memref<8x128xf32, #tpu.memory_space<vmem_shared>>) dst(%dma_wait3A_52 : memref<8x128xf32, #tpu.memory_space<hbm>>)
        tpu.yield
      }) : () -> ()
    } else {
    }
    return
  }
}

module attributes {stable_mosaic.version = 14 : i64} {
  func.func @_tc_finish_body(%arg0: i32, %arg1: memref<1000x256xf32, #tpu.memory_space<vmem>>, %arg2: memref<1x1000x128xf32, #tpu.memory_space<vmem>>, %arg3: memref<1x1000x128xf32, #tpu.memory_space<vmem>>, %arg4: memref<1000x1xf32, #tpu.memory_space<vmem>>, %arg5: memref<1000x1xf32, #tpu.memory_space<vmem>>, %arg6: memref<256x256xf32, #tpu.memory_space<vmem>>, %arg7: memref<1x256xf32, #tpu.memory_space<vmem>>, %arg8: memref<1000x256xf32, #tpu.memory_space<vmem>>) attributes {dimension_semantics = [#tpu.dimension_semantics<arbitrary>], iteration_bounds = array<i64: 10>, scalar_prefetch = 0 : i64, scratch_operands = 0 : i64, tpu.core_type = #tpu.core_type<tc>, window_params = [{transform_indices = @transform_0, window_bounds = array<i64: 1000, 256>}, {transform_indices = @transform_1, window_bounds = array<i64: 1, 1000, 128>}, {transform_indices = @transform_2, window_bounds = array<i64: 1, 1000, 128>}, {transform_indices = @transform_3, window_bounds = array<i64: 1000, 1>}, {transform_indices = @transform_4, window_bounds = array<i64: 1000, 1>}, {pipeline_mode = #tpu.pipeline_mode<synchronous>, transform_indices = @transform_5, window_bounds = array<i64: 256, 256>}, {pipeline_mode = #tpu.pipeline_mode<synchronous>, transform_indices = @transform_6, window_bounds = array<i64: 1, 256>}, {transform_indices = @transform_7, window_bounds = array<i64: 1000, 256>}]} {
    %get3A = arith.constant 0 : index
    %get3A_0 = arith.constant 0 : index
    %get3A_1 = arith.constant 0 : index
    %get3A_2 = vector.load %arg2[%get3A, %get3A_0, %get3A_1] : memref<1x1000x128xf32, #tpu.memory_space<vmem>>, vector<1x1000x128xf32>
    %get3A_3 = vector.shape_cast %get3A_2 : vector<1x1000x128xf32> to vector<1000x128xf32>
    %get3A_4 = arith.constant 0 : index
    %get3A_5 = arith.constant 0 : index
    %get3A_6 = arith.constant 0 : index
    %get3A_7 = vector.load %arg3[%get3A_4, %get3A_5, %get3A_6] : memref<1x1000x128xf32, #tpu.memory_space<vmem>>, vector<1x1000x128xf32>
    %get3A_8 = vector.shape_cast %get3A_7 : vector<1x1000x128xf32> to vector<1000x128xf32>
    %concatenate3A = tpu.concatenate %get3A_3, %get3A_8 in 1 : vector<1000x128xf32>, vector<1000x128xf32> -> vector<1000x256xf32>
    %get3A_9 = arith.constant 0 : index
    %get3A_10 = arith.constant 0 : index
    %get3A_11 = vector.load %arg4[%get3A_9, %get3A_10] : memref<1000x1xf32, #tpu.memory_space<vmem>>, vector<1000x1xf32>
    %get3A_12 = arith.constant 0 : index
    %get3A_13 = arith.constant 0 : index
    %get3A_14 = vector.load %arg5[%get3A_12, %get3A_13] : memref<1000x1xf32, #tpu.memory_space<vmem>>, vector<1000x1xf32>
    %add3A = arith.addf %get3A_11, %get3A_14 : vector<1000x1xf32>
    %max3A = arith.constant 1.000000e+00 : f32
    %max3A_15 = vector.broadcast %max3A : f32 to vector<1000x1xf32>
    %max3A_16 = arith.maximumf %add3A, %max3A_15 : vector<1000x1xf32>
    %div3A = vector.broadcast %max3A_16 : vector<1000x1xf32> to vector<1000x256xf32>
    %div3A_17 = arith.divf %concatenate3A, %div3A : vector<1000x256xf32>
    %get3A_18 = arith.constant 0 : index
    %get3A_19 = arith.constant 0 : index
    %get3A_20 = vector.load %arg1[%get3A_18, %get3A_19] : memref<1000x256xf32, #tpu.memory_space<vmem>>, vector<1000x256xf32>
    %add3A_21 = arith.addf %div3A_17, %get3A_20 : vector<1000x256xf32>
    %get3A_22 = arith.constant 0 : index
    %get3A_23 = arith.constant 0 : index
    %get3A_24 = vector.load %arg6[%get3A_22, %get3A_23] : memref<256x256xf32, #tpu.memory_space<vmem>>, vector<256x256xf32>
    %dot_general3A = arith.constant dense<0.000000e+00> : vector<1000x256xf32>
    %dot_general3A_25 = tpu.matmul %add3A_21, %get3A_24, %dot_general3A {dimension_numbers = #tpu.dot_dimension_numbers<[1], [0], [0], [1], [0, 0, 1, 1], [], []>, precision = #tpu.contract_precision<fp32>, transpose_lhs_hint = false} : vector<1000x256xf32>, vector<256x256xf32>, vector<1000x256xf32> -> vector<1000x256xf32>
    %get3A_26 = arith.constant 0 : index
    %get3A_27 = arith.constant 0 : index
    %get3A_28 = vector.load %arg7[%get3A_26, %get3A_27] : memref<1x256xf32, #tpu.memory_space<vmem>>, vector<1x256xf32>
    %add3A_29 = vector.broadcast %get3A_28 : vector<1x256xf32> to vector<1000x256xf32>
    %add3A_30 = arith.addf %dot_general3A_25, %add3A_29 : vector<1000x256xf32>
    %swap3A = arith.constant 0 : index
    %swap3A_31 = arith.constant 0 : index
    %swap3A_32 = vector.load %arg8[%swap3A, %swap3A_31] : memref<1000x256xf32, #tpu.memory_space<vmem>>, vector<1000x256xf32>
    tpu.vector_store %arg8[%swap3A, %swap3A_31], %add3A_30 {strides = array<i32>} : memref<1000x256xf32, #tpu.memory_space<vmem>>, vector<1000x256xf32>,
    return
  }
  func.func @transform_0(%arg0: i32) -> (i32, i32) {
    %c0_i32 = arith.constant 0 : i32
    %c0_i32_0 = arith.constant 0 : i32
    return %arg0, %c0_i32 : i32, i32
  }
  func.func @transform_1(%arg0: i32) -> (i32, i32, i32) {
    %c0_i32 = arith.constant 0 : i32
    %c0_i32_0 = arith.constant 0 : i32
    %c0_i32_1 = arith.constant 0 : i32
    return %c0_i32, %arg0, %c0_i32_0 : i32, i32, i32
  }
  func.func @transform_2(%arg0: i32) -> (i32, i32, i32) {
    %c1_i32 = arith.constant 1 : i32
    %c0_i32 = arith.constant 0 : i32
    %c0_i32_0 = arith.constant 0 : i32
    return %c1_i32, %arg0, %c0_i32 : i32, i32, i32
  }
  func.func @transform_3(%arg0: i32) -> (i32, i32) {
    %c0_i32 = arith.constant 0 : i32
    %c0_i32_0 = arith.constant 0 : i32
    return %arg0, %c0_i32 : i32, i32
  }
  func.func @transform_4(%arg0: i32) -> (i32, i32) {
    %c0_i32 = arith.constant 0 : i32
    %c0_i32_0 = arith.constant 0 : i32
    return %arg0, %c0_i32 : i32, i32
  }
  func.func @transform_5(%arg0: i32) -> (i32, i32) {
    %c0_i32 = arith.constant 0 : i32
    %c0_i32_0 = arith.constant 0 : i32
    %c0_i32_1 = arith.constant 0 : i32
    return %c0_i32, %c0_i32_0 : i32, i32
  }
  func.func @transform_6(%arg0: i32) -> (i32, i32) {
    %c0_i32 = arith.constant 0 : i32
    %c0_i32_0 = arith.constant 0 : i32
    %c0_i32_1 = arith.constant 0 : i32
    return %c0_i32, %c0_i32_0 : i32, i32
  }
  func.func @transform_7(%arg0: i32) -> (i32, i32) {
    %c0_i32 = arith.constant 0 : i32
    %c0_i32_0 = arith.constant 0 : i32
    return %arg0, %c0_i32 : i32, i32
  }
}

</mosaic_0001>

<sc_bundles>
// kernel: kernel.4.cloned.1.call-start
scs
__scs_entry_jumppad:
0x0: {  	(pc) =	sbr.rel $0x88, $3  }
0x1: {  	(tag) =	ssettag $0x0;
	lr =	simm.s32 $0x1  }
0x2: {  	[smem:$0x3F9D] =	sst lr;
	_ =	strace $0xD0000000  }
0x3: {  	_ = 	snop  }
0x4: {  	_ = 	snop  }
0x5: {  	_ = 	snop  }
0x6: {  	_ = 	snop  }
0x7: {  	_ = 	snop  }
__scs_overlays_trampoline_lowered:
0x8: {  	[smem:$0x3FAC] =	sst s0  }
0x9: {  	[smem:$0x3FAD] =	sst s1  }
0xa: {  	[smem:$0x3FAE] =	sst s2  }
0xb: {  	[smem:$0x3FAF] =	sst s3  }
0xc: {  	[smem:$0x3FB0] =	sst s4  }
0xd: {  	[smem:$0x3FB1] =	sst s5  }
0xe: {  	[smem:$0x3FB2] =	sst s6  }
0xf: {  	[smem:$0x3FB3] =	sst s7  }
0x10: {  	[smem:$0x3FB4] =	sst s8  }
0x11: {  	[smem:$0x3FB5] =	sst s9;
	s0 =	simm.s32 @!p0 $0x0  }
0x12: {  	s1 =	sld [smem:$0x3F9B];
	s0 =	simm.s32 @p0 $0x1  }
0x13: {  	[smem:$0x3FB6] =	sst s0;
	s0 =	simm.s32 @!p1 $0x0  }
0x14: {  	s2 =	sld [smem:$0x3F9A];
	s0 =	simm.s32 @p1 $0x1  }
0x15: {  	[smem:$0x3FB7] =	sst s0;
	s0 =	simm.s32 @!p2 $0x0  }
0x16: {  	s3 =	sld [smem:$0x3FDB];
	s0 =	simm.s32 @p2 $0x1  }
0x17: {  	s4 =	simm.s32 $0x1BF5;
	[smem:$0x3FB9] =	sst s0  }
0x18: {  	s0 =	sld [smem:$0x3F9C];
	_ =	swait.ge [sflag:s4], $0x0  }
0x19: {  	s7 =	sld [smem:$0x3F9D]  }
0x1a: {  	s8 =	sadd.s32 $0xFFFFE003, lr  }
0x1b: {  	s9 =	sadd.s32 $0xFFFFFEF7, lr;
	s5 =	simm.s32 $0xFFFFFFFF;
	p2 =	slt.u32 s8, $0xFFFFF086  }
0x1c: {  	p1 =	slt.u32 s9, $0xF7A;
	s5 =	simm.s32 @!p2 $0x0  }
0x1d: {  	s5 =	simm.s32 @p1 $0x1;
	p0 =	seq.s32 s7, s2  }
0x1e: {  	s7 =	smul.u32 @!p0 $0xF7A, s2;
	p2 =	seq.s32 @!p0 s5, $0x0  }
0x1f: {  	s9 =	smul.u32 $0xF7A, s1;
	s8 =	simm.s32 @!p0 $0x1BF5;
	p2 =	por !p2, p0  }
0x20: {  	[sflag:s8] =	ssyncset.s32 @!p0 $0xFFFFF086;
	s6 =	sadd.s32 @!p0 s3, s7;
	s7 =	simm.s32 @!p0 $0x108  }
0x21: {  	s3 =	sadd.s32 s3, s9;
	s6 =	sadd.s32 @!p0 $0x88, s6;
	s7 =	simm.s32 @p2 $0x1082  }
0x22: {  	[simem:s7], [sflag:s8] =	dma.local @!p0 [hbm:s6], $0xF7A  }
0x23: {  	s9 =	sor.u32 $0xD0000000, s2;
	s6 =	simm.s32 $0x108;
	_ =	swait.ge @!p0 [sflag:s8], $0x0  }
0x24: {  	s3 =	sadd.s32 $0x88, s3;
	s6 =	simm.s32 @!p1 $0x1082;
	[sflag:s4] =	ssyncset.s32 $0xFFFFF086  }
0x25: {  	[simem:s6], [sflag:s4] =	dma.local [hbm:s3], $0xF7A  }
0x26: {  	[smem:$0x3F9D] =	sst s1;
	(tag) =	ssettag s2;
	_ =	strace s9  }
0x27: {  	s1 =	sld [smem:$0x3FAD]  }
0x28: {  	s2 =	sld [smem:$0x3FAE]  }
0x29: {  	s4 =	sld [smem:$0x3FB0]  }
0x2a: {  	p0 =	seq.s32 s5, $0x0;
	s5 =	sld [smem:$0x3FB1]  }
0x2b: {  	s6 =	sld [smem:$0x3FB2]  }
0x2c: {  	s7 =	sld [smem:$0x3FB3]  }
0x2d: {  	s3 =	simm.s32 $0x108;
	s8 =	sld [smem:$0x3FB4]  }
0x2e: {  	s3 =	simm.s32 @!p0 $0x1082;
	s9 =	sld [smem:$0x3FB5]  }
0x2f: {  	lr =	sadd.s32 s0, s3;
	s0 =	sld [smem:$0x3FAC]  }
0x30: {  	s3 =	sld [smem:$0x3FAF]  }
0x31: {  	[smem:$0x3FB8] =	sst s10  }
0x32: {  	s10 =	sld [smem:$0x3FB6];
	_ =	sdelay $0x3  }
0x33: {  	p0 =	seq.s32 s10, $0x1;
	s10 =	sld [smem:$0x3FB8];
	_ =	sdelay $0x3  }
0x34: {  	[smem:$0x3FB8] =	sst s10  }
0x35: {  	s10 =	sld [smem:$0x3FB7];
	_ =	sdelay $0x3  }
0x36: {  	p1 =	seq.s32 s10, $0x1;
	s10 =	sld [smem:$0x3FB8];
	_ =	sdelay $0x3  }
0x37: {  	[smem:$0x3FB8] =	sst s10  }
0x38: {  	s10 =	sld [smem:$0x3FB9]  }
0x39: {  	_ = 	snop;
	(pc) =	sbr.ind lr, $3  }
0x3a: {  	_ = 	snop  }
0x3b: {  	_ = 	snop  }
0x3c: {  	p2 =	seq.s32 s10, $0x1;
	s10 =	sld [smem:$0x3FB8]  }
0x3d: {  	_ =	shalt  }
0x3e: {  	_ =	shalt  }
0x3f: {  	_ =	shalt  }
0x40: {  	_ =	shalt  }
0x41: {  	_ =	shalt  }
0x42: {  	_ =	shalt  }
0x43: {  	_ =	shalt  }
0x44: {  	_ =	shalt  }
0x45: {  	_ =	shalt  }
0x46: {  	_ =	shalt  }
0x47: {  	_ =	shalt  }
0x48: {  	_ =	shalt  }
0x49: {  	_ =	shalt  }
0x4a: {  	_ =	shalt  }
0x4b: {  	_ =	shalt  }
0x4c: {  	_ =	shalt  }
0x4d: {  	_ =	shalt  }
0x4e: {  	_ =	shalt  }
0x4f: {  	_ =	shalt  }
0x50: {  	_ =	shalt  }
0x51: {  	_ =	shalt  }
0x52: {  	_ =	shalt  }
0x53: {  	_ =	shalt  }
0x54: {  	_ =	shalt  }
0x55: {  	_ =	shalt  }
0x56: {  	_ =	shalt  }
0x57: {  	_ =	shalt  }
0x58: {  	_ =	shalt  }
0x59: {  	_ =	shalt  }
0x5a: {  	_ =	shalt  }
0x5b: {  	_ =	shalt  }
0x5c: {  	_ =	shalt  }
0x5d: {  	_ =	shalt  }
0x5e: {  	_ =	shalt  }
0x5f: {  	_ =	shalt  }
0x60: {  	_ =	shalt  }
0x61: {  	_ =	shalt  }
0x62: {  	_ =	shalt  }
0x63: {  	_ =	shalt  }
0x64: {  	_ =	shalt  }
0x65: {  	_ =	shalt  }
0x66: {  	_ =	shalt  }
0x67: {  	_ =	shalt  }
0x68: {  	_ =	shalt  }
0x69: {  	_ =	shalt  }
0x6a: {  	_ =	shalt  }
0x6b: {  	_ =	shalt  }
0x6c: {  	_ =	shalt  }
0x6d: {  	_ =	shalt  }
0x6e: {  	_ =	shalt  }
0x6f: {  	_ =	shalt  }
0x70: {  	_ =	shalt  }
0x71: {  	_ =	shalt  }
0x72: {  	_ =	shalt  }
0x73: {  	_ =	shalt  }
0x74: {  	_ =	shalt  }
0x75: {  	_ =	shalt  }
0x76: {  	_ =	shalt  }
0x77: {  	_ =	shalt  }
0x78: {  	_ =	shalt  }
0x79: {  	_ =	shalt  }
0x7a: {  	_ =	shalt  }
0x7b: {  	_ =	shalt  }
0x7c: {  	_ =	shalt  }
0x7d: {  	_ =	shalt  }
0x7e: {  	_ =	shalt  }
0x7f: {  	_ =	shalt  }
0x80: {  	_ =	shalt  }
0x81: {  	_ =	shalt  }
0x82: {  	_ =	shalt  }
0x83: {  	_ =	shalt  }
0x84: {  	_ =	shalt  }
0x85: {  	_ =	shalt  }
0x86: {  	_ =	shalt  }
0x87: {  	_ =	shalt  }
.Lfunc_end0:
.L_simem_size_0:
called_computation_lowered:
.L_overlay_start_0:
0x88: {  	s2 =	sld [smem:$0x3FD9]  }
0x89: {  	s3 =	sld [smem:$0x3FFE];
	_ =	sdelay $0x1  }
0x8a: {  	s1 =	srdreg.scid  }
0x8b: {  	s0 =	sand.u32 $0x1, s1  }
0x8c: {  	s17 =	sshll.u32 s0, $0xA;
	s2 =	sadd.s32 s3, s2  }
0x8d: {  	s2 =	sadd.s32 s2, s17  }
0x8e: {  	[smem:$0x3FC4] =	sst s2  }
0x8f: {  	_ = 	snop  }
0x90: {  	s2 =	sld [smem:$0x3FD0];
	(tm) =	ssettm $0x1  }
0x91: {  	s18 =	sld [smem:$0x3FFB];
	_ =	sdelay $0x3  }
0x92: {  	_ =	strace s18  }
0x93: {  	s3 =	sld [smem:$0x3FFC];
	_ =	sdelay $0x3  }
0x94: {  	_ =	strace s3  }
0x95: {  	s3 =	sld [smem:$0x3FFD];
	_ =	sdelay $0x3  }
0x96: {  	_ =	strace s3  }
0x97: {  	_ =	strace $0x8FFFFFFF  }
0x98: {  	s19 =	sld [smem:$0x3FDB];
	_ =	sdelay $0x1  }
0x99: {  	s4 =	simm.s32 $_scs_section_size  }
0x9a: {  	s5 =	simm.s32 $_size__tile_overlayer_lowered;
	s6 =	simm.s32 $_tile_overlayer_lowered  }
0x9b: {  	s22 =	simm.s32 $0x1BFF;
	s21 =	sshll.u32 s6, $0x1;
	s3 =	sadd.s32 s4, s19  }
0x9c: {  	s7 =	simm.s32 $0x0;
	s20 =	sshll.u32 s5, $0x1;
	s5 =	sadd.s32 s21, s3  }
0x9d: {  	[timem:s7], [sflag:s22] =	dma.local [hbm:s5], s20  }
0x9e: {  	_ =	swait.ge [sflag:s22], s20  }
0x9f: {  	s4 =	ssub.s32 $0x0, s20;
	[sflag:s22] =	ssyncset.done $0x0  }
0xa0: {  	[sflag:s22] =	ssyncadd.s32 s4;
	_ =	sdelay $0x1  }
0xa1: {  	s23 =	simm.s32 $0x1B8B  }
0xa2: {  	_ =	swait.ge [sflag:s23], $0x1  }
0xa3: {  	[sflag:s23] =	ssyncset.done $0x0  }
0xa4: {  	s25 =	simm.s32 $0x1B8E;
	s24 =	sld [smem:$0x3FFE];
	[sflag:s23] =	ssyncadd.s32 $0xFFFFFFFF  }
0xa5: {  	s26 =	simm.s32 $execute0_lowered;
	[smem:$0x3FD2] =	sst s25  }
0xa6: {  	s5 =	sshll.u32 s26, $0x1;
	_ =	strace $0x80000046;
	[dreg:$0x1] =	wrdreg $0xFFFFFFFF  }
0xa7: {  	s28 =	simm.s32 $_size_execute0_lowered;
	s3 =	sadd.s32 s3, s5;
	[dreg:$0x0] =	wrdreg $0x0  }
0xa8: {  	s5 =	sshll.u32 s28, $0x1;
	[dreg:$0x2] =	wrdreg s3  }
0xa9: {  	[dreg:$0x3] =	wrdreg s5  }
0xaa: {  	[dreg:$0x4] =	wrdreg $0xC0  }
0xab: {  	_ =	task [dreg:s7], $0x5FFFF  }
0xac: {  	[dreg:$0x1] =	wrdreg $0xFFFFFFFF  }
0xad: {  	[dreg:$0x0] =	wrdreg $0x60  }
0xae: {  	[dreg:$0x2] =	wrdreg s2  }
0xaf: {  	[dreg:$0x3] =	wrdreg s24  }
0xb0: {  	[dreg:$0x4] =	wrdreg $0xB1000  }
0xb1: {  	[dreg:$0x5] =	wrdreg $0x1ED000  }
0xb2: {  	[dreg:$0x6] =	wrdreg $0x1EF800  }
0xb3: {  	[dreg:$0x7] =	wrdreg $0x9  }
0xb4: {  	_ =	task.clear_ibuf [dreg:s7], $0x8FFFF;
	_ =	strace $0x90000046  }
0xb5: {  	s29 =	simm.s32 $0x9;
	_ =	strace $0x80000048  }
0xb6: {  	_ =	swait.ge [sflag:s29], $0x1  }
0xb7: {  	[sflag:s29] =	ssyncadd.s32 $0xFFFFFFFF  }
0xb8: {  	_ =	strace $0x90000048  }
0xb9: {  	_ =	sfence  }
0xba: {  	s30 =	sld [smem:$0x0];
	_ =	sdelay $0x2  }
0xbb: {  	s31 =	sshll.u32 s1, $0xD;
	s1 =	sshrl.u32 s1, $0x2  }
0xbc: {  	s3 =	sand.u32 $0x4000, s31;
	s1 =	sadd.s32 s1, s30  }
0xbd: {  	s0 =	sor.u32 s3, s0;
	s1 =	sshll.u32 s1, $0x11  }
0xbe: {  	s0 =	sor.u32 s1, s0  }
0xbf: {  	s0 =	sadd.s32 $0x8F2B, s0  }
0xc0: {  	[sflag:s0] =	ssyncadd.remote.s32 $0x1  }
0xc1: {  	_ =	sfence.sel $0xFFFF  }
0xc2: {  	[dreg:$0x0] =	wrdreg $0xFFFFFFFF;
	(pc) =	sbr.abs _section_cstart, $3  }
0xc3: {  	[dreg:$0x1] =	wrdreg $0xFFFFFFFF  }
0xc4: {  	_ =	task.clear_ibuf [dreg:s7], $0x2FFFF;
	_ =	strace $0x9FFFFFFF  }
0xc5: {  	(tm) =	ssettm $0x7FFFFFFF  }
tec
execute0_lowered:
.L_overlay_start_1:
0x0: {  	(tag) =	ssettag $0x1  }
0x1: {  	s1 =	rddreg [dreg:$0x0]  }
0x2: {  	s0 =	rddreg [dreg:$0x1]  }
0x3: {  	s2 =	srdreg.scid;
	s3 =	rddreg [dreg:$0x2]  }
0x4: {  	s24 =	stileid.u32;
	s4 =	rddreg [dreg:$0x3]  }
0x5: {  	s5 =	rddreg [dreg:$0x4];
	s6 =	simm.s32 $0x0;
	s26 =	simm.s32 $0x3000  }
0x6: {  	s30 =	simm.s32 $0x3080;
	s28 =	simm.s32 $0x2;
	s7 =	smul.u32 $0x2800, s24  }
0x7: {  	s29 =	simm.s32 $0x0;
	s2 =	sand.u32 $0x1, s2;
	s9 =	smul.u32 $0x13C00, s24  }
0x8: {  	[smem:$0x7FF] =	sst s6;
	s18 =	sadd.s32 $0x1C00, s0;
	s17 =	smul.u32 $0x4F000, s24  }
0x9: {  	s11 =	sshll.u32 s24, $0x7;
	s14 =	sshll.u32 s24, $0xA;
	s25 =	smul.u32 $0x500, s24  }
0xa: {  	s15 =	sadd.s32 $0x10C00, s0;
	s21 =	sshll.u32 s24, $0x6;
	s8 =	smul.u32 $0x28000, s2  }
0xb: {  	p1 =	sgt.u32 s24, $0x9;
	s24 =	simm.s32 $0x7100;
	s10 =	smul.u32 $0x13C000, s2  }
0xc: {  	_ =	strace $0x80000047;
	s12 =	smul.u32 $0x2800, s2;
	s13 =	sadd.s32 s11, s0  }
0xd: {  	s16 =	ssub.s32 $0x2, s2;
	s22 =	sadd.s32 s14, s4;
	[dreg:$0x6] =	wrdreg s26  }
0xe: {  	s11 =	sadd.s32 s15, s11;
	p0 =	seq.s32 s2, $0x0;
	[dreg:$0x7] =	wrdreg s30  }
0xf: {  	s2 =	simm.s32 $0x40;
	s19 =	sshrl.u32 s16, $0x1;
	[dreg:$0xa] =	wrdreg s22  }
0x10: {  	s20 =	sshrl.u32 s17, $0x2;
	[dreg:$0xb] =	wrdreg s11;
	s23 =	sadd.s32 $0x1400, s13  }
0x11: {  	s2 =	simm.s32 @!p0 $0x240;
	s8 =	sadd.s32 s7, s8;
	s10 =	sadd.s32 s9, s10  }
0x12: {  	s12 =	sadd.s32 s14, s12;
	s19 =	ssub.s32 s16, s19;
	s9 =	sshrl.u32 s9, $0x3  }
0x13: {  	[dreg:$0xc] =	wrdreg s23;
	s7 =	sshrl.u32 s7, $0x3;
	s23 =	simm.s32 $0x1C0  }
0x14: {  	s2 =	sshrl.u32 s2, $0x2;
	s8 =	sshrl.u32 s8, $0x3;
	s10 =	sshrl.u32 s10, $0x3  }
0x15: {  	s12 =	sshrl.u32 s12, $0x3;
	s9 =	sadd.s32 s15, s9;
	s7 =	sadd.s32 s18, s7  }
0x16: {  	s17 =	smax.u32 s19, $0x1;
	s23 =	simm.s32 @!p0 $0x3C0;
	s8 =	sadd.s32 s8, s0  }
0x17: {  	s10 =	sadd.s32 s10, s0;
	s0 =	sadd.s32 s12, s0;
	s12 =	sadd.s32 s20, s3  }
0x18: {  	[dreg:$0x9] =	wrdreg s9;
	s9 =	sor.u32 $0x1C04, s21;
	s20 =	sadd.s32 s14, s5  }
0x19: {  	[dreg:$0xe] =	wrdreg s7;
	s7 =	simm.s32 $0x80;
	s21 =	simm.s32 $0x140  }
0x1a: {  	s26 =	sshrl.u32 s23, $0x2;
	s23 =	simm.s32 $0x3100;
	[dreg:$0x8] =	wrdreg s12  }
0x1b: {  	s8 =	sadd.s32 $0x6C00, s8;
	s15 =	sadd.s32 $0x38E00, s10;
	s16 =	sadd.s32 $0x38400, s0  }
0x1c: {  	s7 =	simm.s32 @!p0 $0x280;
	s0 =	simm.s32 $0xC0;
	s10 =	sadd.s32 s25, s18  }
0x1d: {  	s21 =	simm.s32 @!p0 $0x340;
	s18 =	simm.s32 $0x180;
	s19 =	sshrl.u32 s20, $0x3  }
0x1e: {  	s20 =	simm.s32 $0x80;
	s25 =	simm.s32 $0x1;
	[dreg:$0xd] =	wrdreg s8  }
0x1f: {  	v6 =	vmov s26;
	s8 =	simm.s32 $0x100;
	s0 =	simm.s32 @!p0 $0x2C0;
	s18 =	simm.s32 @!p0 $0x380  }
0x20: {  	s7 =	sshrl.u32 s7, $0x2;
	s31 =	sshrl.u32 s21, $0x2;
	s8 =	simm.s32 @!p0 $0x300  }
0x21: {  	v0 =	vmov s2;
	s0 =	sshrl.u32 s0, $0x2;
	s18 =	sshrl.u32 s18, $0x2;
	v1 =	vmov s7;
	v4 =	vmov s31;
	s8 =	sshrl.u32 s8, $0x2  }
0x22: {  	s26 =	simm.s32 $0x5;
	s22 =	sadd.s32 $0x80, s10;
	s21 =	simm.s32 $0x4;
	v2 =	vmov s0;
	v5 =	vmov s18;
	v3 =	vmov s8  }
.LBB2_1:
0x23: {  	s0 =	rddreg [dreg:$0x8]  }
0x24: {  	s8 =	rddreg [dreg:$0x9];
	s30 =	sshrl.u32 s0, $0x3  }
0x25: {  	[spmem:s30], [sflag:s9] =	dma.local [hbm:s8], $0x2780  }
0x26: {  	_ =	swait.ge [sflag:s21], $0x2780  }
0x27: {  	[sflag:s21] =	ssyncset.done $0x0;
	s0 =	rddreg [dreg:$0xa]  }
0x28: {  	[sflag:s21] =	ssyncadd.s32 $0xFFFFD880;
	s31 =	sshrl.u32 @!p1 s0, $0x3;
	s0 =	rddreg [dreg:$0xb]  }
0x29: {  	[spmem:s31], [sflag:s9] =	dma.local @!p1 [hbm:s0], $0x80  }
0x2a: {  	s0 =	simm.s32 @!p1 $0x4  }
0x2b: {  	_ =	swait.ge @!p1 [sflag:s0], $0x80  }
0x2c: {  	[sflag:s0] =	ssyncset.done @!p1 $0x0  }
0x2d: {  	s10 =	rddreg [dreg:$0xc];
	[sflag:s0] =	ssyncadd.s32 @!p1 $0xFFFFFF80  }
0x2e: {  	[spmem:s19], [sflag:s9] =	dma.local [hbm:s10], $0x80  }
0x2f: {  	_ =	swait.ge [sflag:s21], $0x80  }
0x30: {  	[sflag:s21] =	ssyncset.done $0x0  }
0x31: {  	s11 =	rddreg [dreg:$0xd];
	[sflag:s21] =	ssyncadd.s32 $0xFFFFFF80  }
0x32: {  	[tilespmem:s6], [sflag:$0x4] =	stream.linear.gather [hbm4b:s11+s6], $0x2800, $0x38;
	[tilespmem:$0x1F380] =	vst v63  }
0x33: {  	s2 =	simm.s32 $0x2800;
	_ =	swait.ge [sflag:s21], $0x2800  }
0x34: {  	s13 =	sand.u32 $0x3, s6;
	s14 =	simm.s32 $0x0;
	[sflag:s21] =	ssyncset.done $0x0  }
0x35: {  	p2 =	sne.s32 s13, $0x0;
	s12 =	rddreg [dreg:$0xe];
	[sflag:s21] =	ssyncadd.s32 $0xFFFFD800  }
0x36: {  	[tilespmem:s2], [sflag:$0x3] =	stream.linear.gather [hbm4b:s12+s6], $0x400, $0x38;
	[tilespmem:$0x1F380] =	vst v63  }
0x37: {  	p3 =	por @!p2 $0x0, $0x0;
	s7 =	simm.s32 @!p2 $0x3;
	[bflag:$0x0] =	sbarrier.arrive $0xFFFF  }
0x38: {  	[tilespmem:s23], [sflag:$0x1] =	stream.indirect.gather [hbm4b:s1+s20], $0x80, s6, s20, $0xb8;
	[tilespmem:$0x1F380] =	vst v63  }
0x39: {  	p3 =	por p3, p2;
	s2 =	sand.u32 $0x1, s14;
	_ =	swait.ge @!p2 [sflag:s7], $0x400  }
0x3a: {  	s8 =	sshll.u32 @!p3 s2, $0xA;
	[sflag:s7] =	ssyncset.done @!p2 $0x0  }
0x3b: {  	s8 =	sxor.u32 @!p3 $0x2C00, s8;
	[sflag:s7] =	ssyncadd.s32 @!p2 $0xFFFFFC00;
	s7 =	simm.s32 @!p3 $0x0  }
0x3c: {  	[tilespmem:s8], [sflag:$0x3] =	stream.linear.gather @!p3 [hbm4b:s22+s7], $0x400, $0x38;
	[tilespmem:$0x1F380] =	vst v63  }
0x3d: {  	s18 =	simm.s32 $0x80  }
0x3e: {  	[tilespmem:s24], [sflag:$0x2] =	stream.indirect.gather [hbm4b:s1+s20], $0x80, s18, s20, $0xb8;
	[tilespmem:$0x1F380] =	vst v63  }
0x3f: {  	s0 =	sshll.u32 s13, $0x8;
	s2 =	sshll.u32 s2, $0xA;
	_ =	swait.ge [sflag:s25], $0x4000  }
0x40: {  	s0 =	sor.u32 s0, s2;
	[sflag:s25] =	ssyncset.done $0x0  }
0x41: {  	s7 =	sor.u32 $0x2800, s0;
	[sflag:s25] =	ssyncadd.s32 $0xFFFFC000  }
0x42: {  	[spmem:s3] =	stream.indirect.scatter.add.f32 [tilespmem:s23], [sflag:$0x5], $0x80, s7, s20, $0xb8;
	[tilespmem:$0x1F380] =	vst v63  }
0x43: {  	p2 =	por $0x0, $0x0;
	_ =	swait.ge [sflag:s26], $0x4000  }
0x44: {  	s0 =	simm.s32 @!p2 $0x3100;
	[sflag:s26] =	ssyncset.done $0x0  }
0x45: {  	s2 =	simm.s32 @!p2 $0x100;
	s8 =	simm.s32 @!p2 $0x80;
	[sflag:s26] =	ssyncadd.s32 $0xFFFFC000  }
0x46: {  	[tilespmem:s0], [sflag:$0x1] =	stream.indirect.gather @!p2 [hbm4b:s1+s8], $0x80, s2, s8, $0xb8;
	[tilespmem:$0x1F380] =	vst v63  }
0x47: {  	_ =	swait.ge [sflag:s28], $0x4000  }
0x48: {  	[sflag:s28] =	ssyncset.done $0x0  }
0x49: {  	s0 =	sadd.s32 $0x80, s7;
	[sflag:s28] =	ssyncadd.s32 $0xFFFFC000  }
0x4a: {  	[spmem:s3] =	stream.indirect.scatter.add.f32 [tilespmem:s24], [sflag:$0x5], $0x80, s0, s20, $0xb8;
	[tilespmem:$0x1F380] =	vst v63  }
0x4b: {  	_ =	swait.ge [sflag:s26], $0x4000  }
0x4c: {  	[sflag:s26] =	ssyncset.done $0x0  }
0x4d: {  	s0 =	smov.u32 @p0 s7;
	[sflag:s26] =	ssyncadd.s32 $0xFFFFC000  }
0x4e: {  	v7 =	vld [tilespmem:s0+$0x0];
	_ =	sdelay $0x4  }
0x4f: {  	v8 =	vand.u32 $0x7F, v7  }
0x50: {  	v7 =	vshrl.u32 v7, $0x7;
	[tilespmem:$0x3000] =	vst v8  }
0x51: {  	[tilespmem:$0x3080] =	vst v7  }
0x52: {  	v7 =	vld.idx.msk [tilespmem:v0+s7+$0x0 ss:$0x1], $0xffff;
	_ =	sdelay $0x4  }
0x53: {  	v8 =	vand.u32 $0x7F, v7  }
0x54: {  	v7 =	vshrl.u32 v7, $0x7;
	[tilespmem:$0x3010] =	vst v8  }
0x55: {  	[tilespmem:$0x3090] =	vst v7  }
0x56: {  	v7 =	vld.idx.msk [tilespmem:v1+s7+$0x0 ss:$0x1], $0xffff;
	_ =	sdelay $0x4  }
0x57: {  	v8 =	vand.u32 $0x7F, v7  }
0x58: {  	v7 =	vshrl.u32 v7, $0x7;
	[tilespmem:$0x3020] =	vst v8  }
0x59: {  	[tilespmem:$0x30A0] =	vst v7  }
0x5a: {  	v7 =	vld.idx.msk [tilespmem:v2+s7+$0x0 ss:$0x1], $0xffff;
	_ =	sdelay $0x4  }
0x5b: {  	v8 =	vand.u32 $0x7F, v7  }
0x5c: {  	v7 =	vshrl.u32 v7, $0x7;
	[tilespmem:$0x3030] =	vst v8  }
0x5d: {  	[tilespmem:$0x30B0] =	vst v7  }
0x5e: {  	v7 =	vld.idx.msk [tilespmem:v3+s7+$0x0 ss:$0x1], $0xffff;
	_ =	sdelay $0x4  }
0x5f: {  	v8 =	vand.u32 $0x7F, v7  }
0x60: {  	v7 =	vshrl.u32 v7, $0x7;
	[tilespmem:$0x3040] =	vst v8  }
0x61: {  	[tilespmem:$0x30C0] =	vst v7  }
0x62: {  	v7 =	vld.idx.msk [tilespmem:v4+s7+$0x0 ss:$0x1], $0xffff;
	_ =	sdelay $0x4  }
0x63: {  	v8 =	vand.u32 $0x7F, v7  }
0x64: {  	v7 =	vshrl.u32 v7, $0x7;
	[tilespmem:$0x3050] =	vst v8  }
0x65: {  	[tilespmem:$0x30D0] =	vst v7  }
0x66: {  	v7 =	vld.idx.msk [tilespmem:v5+s7+$0x0 ss:$0x1], $0xffff;
	_ =	sdelay $0x4  }
0x67: {  	v8 =	vand.u32 $0x7F, v7  }
0x68: {  	s18 =	smov.u32 s22;
	s2 =	simm.s32 $0x400;
	s0 =	simm.s32 $0x0;
	v7 =	vshrl.u32 v7, $0x7;
	[tilespmem:$0x3060] =	vst v8  }
.LBB2_2:
0x69: {  	[tilespmem:$0x30E0] =	vst v7  }
0x6a: {  	v7 =	vld.idx.msk [tilespmem:v6+s7+$0x0 ss:$0x1], $0xffff;
	_ =	sdelay $0x4  }
0x6b: {  	v8 =	vand.u32 $0x7F, v7  }
0x6c: {  	s0 =	sadd.s32 $0x1, s0;
	v7 =	vshrl.u32 v7, $0x7;
	[tilespmem:$0x3070] =	vst v8  }
0x6d: {  	s11 =	rddreg [dreg:$0x6];
	s8 =	sand.u32 $0x3, s0;
	s12 =	sshrl.u32 s0, $0x2;
	[tilespmem:$0x30F0] =	vst v7  }
0x6e: {  	[tilespmem:s24], [sflag:$0x2] =	stream.indirect.gather [spmem:s5], $0x80, s11, s20, $0xb8;
	[tilespmem:$0x1F380] =	vst v63  }
0x6f: {  	p3 =	sne.s32 s8, $0x0;
	s7 =	sshll.u32 s8, $0x8;
	_ =	swait.ge [sflag:s28], $0x4000  }
0x70: {  	s8 =	simm.s32 $0x5;
	p4 =	sgt.u32 @!p3 s0, $0x23;
	[sflag:s28] =	ssyncset.done $0x0  }
0x71: {  	s8 =	simm.s32 @!p0 $0x4;
	s13 =	rddreg [dreg:$0x7];
	[sflag:s28] =	ssyncadd.s32 $0xFFFFC000  }
0x72: {  	[spmem:s4] =	stream.indirect.scatter.add.f32 [tilespmem:s24], [sflag:s8], $0x80, s13, s20, $0xb8;
	[tilespmem:$0x1F380] =	vst v63  }
0x73: {  	p4 =	por p4, p3;
	s11 =	sand.u32 $0x1, s12;
	_ =	swait.ge [sflag:s8], $0x4000  }
0x74: {  	s14 =	sshll.u32 @!p4 s11, $0xA;
	s11 =	sshll.u32 s11, $0xA;
	[sflag:s8] =	ssyncset.done $0x0  }
0x75: {  	s7 =	sor.u32 s7, s11;
	s11 =	simm.s32 @!p3 $0x3;
	[sflag:s8] =	ssyncadd.s32 $0xFFFFC000  }
0x76: {  	s18 =	sadd.s32 $0x20, s18;
	_ =	swait.ge @!p3 [sflag:s11], $0x400  }
0x77: {  	s10 =	smov.u32 s2;
	s12 =	simm.s32 @!p4 $0x0;
	[sflag:s11] =	ssyncset.done @!p3 $0x0  }
0x78: {  	s14 =	sxor.u32 @!p4 $0x2C00, s14;
	s13 =	sshra.s32 s10, $0x2;
	[sflag:s11] =	ssyncadd.s32 @!p3 $0xFFFFFC00  }
0x79: {  	[tilespmem:s14], [sflag:$0x3] =	stream.linear.gather @!p4 [hbm4b:s18+s12], $0x400, $0x38;
	[tilespmem:$0x1F380] =	vst v63  }
0x7a: {  	s11 =	sadd.s32 $0x80, s13  }
0x7b: {  	[tilespmem:s24], [sflag:$0x2] =	stream.indirect.gather [hbm4b:s1+s20], $0x80, s11, s20, $0xb8;
	[tilespmem:$0x1F380] =	vst v63  }
0x7c: {  	_ =	swait.ge [sflag:s25], $0x4000  }
0x7d: {  	[sflag:s25] =	ssyncset.done $0x0  }
0x7e: {  	s7 =	sor.u32 $0x2800, s7;
	[sflag:s25] =	ssyncadd.s32 $0xFFFFC000  }
0x7f: {  	[spmem:s3] =	stream.indirect.scatter.add.f32 [tilespmem:s23], [sflag:$0x5], $0x80, s7, s20, $0xb8;
	[tilespmem:$0x1F380] =	vst v63  }
0x80: {  	p3 =	seq.s32 s10, $0x9C00;
	_ =	swait.ge [sflag:s26], $0x4000  }
0x81: {  	s10 =	sshra.s32 @!p3 s10, $0x2;
	s12 =	simm.s32 @!p3 $0x80;
	[sflag:s26] =	ssyncset.done $0x0  }
0x82: {  	s10 =	sadd.s32 @!p3 $0x100, s10;
	s11 =	simm.s32 @!p3 $0x3100;
	[sflag:s26] =	ssyncadd.s32 $0xFFFFC000  }
0x83: {  	[tilespmem:s11], [sflag:$0x1] =	stream.indirect.gather @!p3 [hbm4b:s1+s12], $0x80, s10, s12, $0xb8;
	[tilespmem:$0x1F380] =	vst v63  }
0x84: {  	_ =	swait.ge [sflag:s28], $0x4000  }
0x85: {  	[sflag:s28] =	ssyncset.done $0x0  }
0x86: {  	s10 =	sadd.s32 $0x80, s7;
	[sflag:s28] =	ssyncadd.s32 $0xFFFFC000  }
0x87: {  	[spmem:s3] =	stream.indirect.scatter.add.f32 [tilespmem:s24], [sflag:$0x5], $0x80, s10, s20, $0xb8;
	[tilespmem:$0x1F380] =	vst v63  }
0x88: {  	_ =	swait.ge [sflag:s26], $0x4000  }
0x89: {  	[sflag:s26] =	ssyncset.done $0x0  }
0x8a: {  	s10 =	smov.u32 @p0 s7;
	[sflag:s26] =	ssyncadd.s32 $0xFFFFC000  }
0x8b: {  	v7 =	vld [tilespmem:s10+$0x0];
	_ =	sdelay $0x4  }
0x8c: {  	v8 =	vand.u32 $0x7F, v7  }
0x8d: {  	v7 =	vshrl.u32 v7, $0x7;
	[tilespmem:$0x3000] =	vst v8  }
0x8e: {  	[tilespmem:$0x3080] =	vst v7  }
0x8f: {  	v7 =	vld.idx.msk [tilespmem:v0+s7+$0x0 ss:$0x1], $0xffff;
	_ =	sdelay $0x4  }
0x90: {  	v8 =	vand.u32 $0x7F, v7  }
0x91: {  	v7 =	vshrl.u32 v7, $0x7;
	[tilespmem:$0x3010] =	vst v8  }
0x92: {  	[tilespmem:$0x3090] =	vst v7  }
0x93: {  	v7 =	vld.idx.msk [tilespmem:v1+s7+$0x0 ss:$0x1], $0xffff;
	_ =	sdelay $0x4  }
0x94: {  	v8 =	vand.u32 $0x7F, v7  }
0x95: {  	v7 =	vshrl.u32 v7, $0x7;
	[tilespmem:$0x3020] =	vst v8  }
0x96: {  	[tilespmem:$0x30A0] =	vst v7  }
0x97: {  	v7 =	vld.idx.msk [tilespmem:v2+s7+$0x0 ss:$0x1], $0xffff;
	_ =	sdelay $0x4  }
0x98: {  	v8 =	vand.u32 $0x7F, v7  }
0x99: {  	v7 =	vshrl.u32 v7, $0x7;
	[tilespmem:$0x3030] =	vst v8  }
0x9a: {  	[tilespmem:$0x30B0] =	vst v7  }
0x9b: {  	v7 =	vld.idx.msk [tilespmem:v3+s7+$0x0 ss:$0x1], $0xffff;
	_ =	sdelay $0x4  }
0x9c: {  	v8 =	vand.u32 $0x7F, v7  }
0x9d: {  	v7 =	vshrl.u32 v7, $0x7;
	[tilespmem:$0x3040] =	vst v8  }
0x9e: {  	[tilespmem:$0x30C0] =	vst v7  }
0x9f: {  	v7 =	vld.idx.msk [tilespmem:v4+s7+$0x0 ss:$0x1], $0xffff;
	_ =	sdelay $0x4  }
0xa0: {  	v8 =	vand.u32 $0x7F, v7  }
0xa1: {  	v7 =	vshrl.u32 v7, $0x7;
	[tilespmem:$0x3050] =	vst v8  }
0xa2: {  	[tilespmem:$0x30D0] =	vst v7  }
0xa3: {  	s2 =	sadd.s32 $0x400, s2;
	v7 =	vld.idx.msk [tilespmem:v5+s7+$0x0 ss:$0x1], $0xffff  }
0xa4: {  	p2 =	sne.s32 s2, $0xA000  }
.Ltmp0:
0xa5: {  	_ = 	snop;
	(pc) =	sbr.rel @p2 .LBB2_2-.Ltmp0, $3  }
0xa6: {  	_ =	sdelay $0x1  }
0xa7: {  	v8 =	vand.u32 $0x7F, v7  }
0xa8: {  	v7 =	vshrl.u32 v7, $0x7;
	[tilespmem:$0x3060] =	vst v8  }
0xa9: {  	_ =	sdelay $0x2  }
0xaa: {  	[tilespmem:$0x30E0] =	vst v7  }
0xab: {  	v7 =	vld.idx.msk [tilespmem:v6+s7+$0x0 ss:$0x1], $0xffff;
	_ =	sdelay $0x4  }
0xac: {  	v8 =	vand.u32 $0x7F, v7  }
0xad: {  	v7 =	vshrl.u32 v7, $0x7;
	[tilespmem:$0x3070] =	vst v8  }
0xae: {  	s0 =	rddreg [dreg:$0x6];
	[tilespmem:$0x30F0] =	vst v7  }
0xaf: {  	[tilespmem:s24], [sflag:$0x2] =	stream.indirect.gather [spmem:s5], $0x80, s0, s20, $0xb8;
	[tilespmem:$0x1F380] =	vst v63  }
0xb0: {  	_ =	swait.ge [sflag:s28], $0x4000  }
0xb1: {  	[sflag:s28] =	ssyncset.done $0x0  }
0xb2: {  	s18 =	rddreg [dreg:$0x7];
	[sflag:s28] =	ssyncadd.s32 $0xFFFFC000  }
0xb3: {  	[spmem:s4] =	stream.indirect.scatter.add.f32 [tilespmem:s24], [sflag:s8], $0x80, s18, s20, $0xb8;
	[tilespmem:$0x1F380] =	vst v63  }
0xb4: {  	_ =	swait.ge [sflag:s8], $0x4000  }
0xb5: {  	[sflag:s8] =	ssyncset.done $0x0  }
0xb6: {  	[sflag:s8] =	ssyncadd.s32 $0xFFFFC000  }
0xb7: {  	[bflag:$0x0] =	sbarrier.arrive $0xFFFF  }
0xb8: {  	[hbm:s15], [sflag:s9] =	dma.local [spmem:s30], $0x2780  }
0xb9: {  	s29 =	sadd.s32 $0x1, s29;
	_ =	swait.ge [sflag:s21], $0x2780  }
0xba: {  	p2 =	sne.s32 s29, s17;
	[sflag:s21] =	ssyncset.done $0x0  }
.Ltmp1:
0xbb: {  	s0 =	simm.s32 @!p1 $0x4;
	[sflag:s21] =	ssyncadd.s32 $0xFFFFD880;
	(pc) =	sbr.rel @p2 .LBB2_1-.Ltmp1, $4  }
0xbc: {  	[hbm:s16], [sflag:s9] =	dma.local @!p1 [spmem:s31], $0x80  }
0xbd: {  	_ =	swait.ge @!p1 [sflag:s0], $0x80  }
0xbe: {  	[sflag:s0] =	ssyncset.done @!p1 $0x0  }
0xbf: {  	[sflag:s0] =	ssyncadd.s32 @!p1 $0xFFFFFF80  }
0xc0: {  	_ =	sfence.sel $0x180000  }
0xc1: {  	[bflag:$0x0] =	sbarrier.arrive $0xFFFF  }
0xc2: {  	_ =	strace $0x90000047  }
0xc3: {  	s0 =	stileid.u32;
	[bflag:$0x2] =	sbarrier.arrive $0xFFFF  }
0xc4: {  	p0 =	sne.s32 s0, $0x0;
	s0 =	rddreg [dreg:$0x5]  }
0xc5: {  	s0 =	sadd.s32 @!p0 $0x100000, s0  }
0xc6: {  	[sflag:s0] =	ssyncadd.tile.s32 @!p0 $0x1;
	_ =	shalt  }
.Lfunc_end2:
_tile_overlayer_lowered:
.L_overlay_start_2:
0xc7: {  	(tag) =	ssettag $0x2  }
0xc8: {  	s0 =	rddreg [dreg:$0x0];
	s2 =	stileid.u32  }
0xc9: {  	s1 =	rddreg [dreg:$0x1];
	p0 =	sne.s32 s2, $0x0  }
0xca: {  	s3 =	rddreg [dreg:$0x2];
	[bflag:$0x3] =	sbarrier.arrive $0xFFFF;
	s2 =	simm.s32 @!p0 $0x1C04  }
0xcb: {  	[timem:s3], [sflag:s2] =	dma.local @!p0 [hbm:s0], s1  }
0xcc: {  	s0 =	simm.s32 @!p0 $0x4  }
0xcd: {  	_ =	swait.ge @!p0 [sflag:s0], s1  }
0xce: {  	s1 =	ssub.s32 @!p0 $0x0, s1;
	[sflag:s0] =	ssyncset.done @!p0 $0x0  }
0xcf: {  	[sflag:s0] =	ssyncadd.s32 @!p0 s1  }
0xd0: {  	[bflag:$0x3] =	sbarrier.arrive $0xFFFF  }
0xd1: {  	_ =	shalt  }

</sc_bundles>
